<compile_context>
chip_gen: v7x
topology: tpu7x:2x2x1
jax: 0.10.2.dev20260603
libtpu: 0.0.44.dev20260713+nightly
codegen_flags: <defaults>
</compile_context>

<pallas_src>
import dataclasses
import functools

import jax
import jax.numpy as jnp
from jax import lax
from jax.experimental import pallas as pl
from jax.experimental.pallas import tpu as pltpu
from jax.experimental.pallas import tpu_sc as plsc

N = 10000
E = 320000
D_IN = 128
D_HID = 128
D_OUT = 64

NC, NS = 2, 16
EB = 128
NB_C0 = 97
NB_C1 = 60
NBMAX = max(NB_C0, NB_C1)
E_PAD = NS * (NB_C0 + NB_C1) * EB
N_ACC = 10240
ROWS_SUB = N_ACC // NS
PAD_ROW = N_ACC - 8
NB_H = 80
E_PAD_H = NC * NS * NB_H * EB

@functools.cache
def _sc_mesh():
    return plsc.VectorSubcoreMesh(core_axis_name="c", subcore_axis_name="s",
                                  num_cores=NC, num_subcores=NS)



def _hist_body(dst_hbm, zrow_hbm, out_hbm, dst_v, hist_t):
    c = lax.axis_index("c")
    s = lax.axis_index("s")
    w = s * NC + c
    pltpu.sync_copy(dst_hbm.at[c, s], dst_v)
    pltpu.sync_copy(zrow_hbm, hist_t)
    ones = jnp.ones((16,), jnp.float32)

    @pl.loop(0, NB_H)
    def _(b):
        @pl.loop(0, EB, step=16)
        def _(j):
            idx = dst_v.at[b, pl.ds(j, 16)][...]
            plsc.addupdate_scatter(hist_t, [idx], ones)

    pltpu.sync_copy(hist_t, out_hbm.at[w])


@functools.cache
def _hist():
    return pl.kernel(
        _hist_body,
        out_type=jax.ShapeDtypeStruct((NC * NS, N_ACC), jnp.float32),
        mesh=_sc_mesh(),
        scratch_types=[
            pltpu.VMEM((NB_H, EB), jnp.int32),
            pltpu.VMEM((N_ACC,), jnp.float32),
        ],
        compiler_params=dataclasses.replace(
            pltpu.CompilerParams(), needs_layout_passes=False),
    )


def _msg_body(D, table_hbm, src_hbm, dst_hbm, zacc_hbm, out_hbm,
              src_v, dst_v, rows_v, acc_sh, sem):
    c = lax.axis_index("c")
    s = lax.axis_index("s")
    pltpu.sync_copy(src_hbm.at[c, s], src_v)
    pltpu.sync_copy(dst_hbm.at[c, s], dst_v)
    pltpu.sync_copy(zacc_hbm, acc_sh.at[pl.ds(s * ROWS_SUB, ROWS_SUB)])

    plsc.subcore_barrier()

    def _gather_scatter(b):
        pltpu.async_copy(table_hbm.at[src_v.at[b]], rows_v, sem).wait()
        pltpu.sync_copy(rows_v, acc_sh.at[dst_v.at[b]], add=True)

    @pl.when(c == 0)
    def _():
        pl.loop(0, NB_C0)(_gather_scatter)

    @pl.when(c != 0)
    def _():
        pl.loop(0, NB_C1)(_gather_scatter)

    plsc.subcore_barrier()

    off = s * ROWS_SUB
    pltpu.sync_copy(acc_sh.at[pl.ds(off, ROWS_SUB)], out_hbm.at[c, pl.ds(off, ROWS_SUB)])


@functools.cache
def _make_msg(D):
    return pl.kernel(
        functools.partial(_msg_body, D),
        out_type=jax.ShapeDtypeStruct((NC, N_ACC, D), jnp.float32),
        mesh=_sc_mesh(),
        scratch_types=[
            pltpu.VMEM((NBMAX, EB), jnp.int32),
            pltpu.VMEM((NBMAX, EB), jnp.int32),
            pltpu.VMEM((EB, D), jnp.float32),
            pltpu.VMEM_SHARED((N_ACC, D), jnp.float32),
            pltpu.SemaphoreType.DMA,
        ],
    )



_BLK = 1000


def _mm1_kern(x_ref, w_ref, o_ref):
    o_ref[...] = jnp.dot(x_ref[...], w_ref[...],
                         preferred_element_type=jnp.float32,
                         precision=lax.Precision.HIGHEST)


def _mm1(x, W1):
    return pl.pallas_call(
        _mm1_kern,
        grid=(N // _BLK,),
        in_specs=[pl.BlockSpec((_BLK, D_IN), lambda i: (i, 0)),
                  pl.BlockSpec((D_IN, D_HID), lambda i: (0, 0))],
        out_specs=pl.BlockSpec((_BLK, D_HID), lambda i: (i, 0)),
        out_shape=jax.ShapeDtypeStruct((N, D_HID), jnp.float32),
    )(x, W1)


def _dinv_scale_kern(deg_ref, h1_ref, dinv_ref, h1p_ref):
    dinv = lax.rsqrt(deg_ref[...] + 1.0)
    dinv_ref[...] = dinv
    h1p_ref[...] = dinv * h1_ref[...]


def _dinv_scale(deg, h1):
    return pl.pallas_call(
        _dinv_scale_kern,
        grid=(N // _BLK,),
        in_specs=[pl.BlockSpec((_BLK, 1), lambda i: (i, 0)),
                  pl.BlockSpec((_BLK, D_HID), lambda i: (i, 0))],
        out_specs=[pl.BlockSpec((_BLK, 1), lambda i: (i, 0)),
                   pl.BlockSpec((_BLK, D_HID), lambda i: (i, 0))],
        out_shape=[jax.ShapeDtypeStruct((N, 1), jnp.float32),
                   jax.ShapeDtypeStruct((N, D_HID), jnp.float32)],
    )(deg, h1)


def _layer1_kern(pa_ref, pb_ref, h1_ref, dinv_ref, b1_ref, w2_ref,
                 h2_ref, h2p_ref):
    dinv = dinv_ref[...]
    h = dinv * (pa_ref[...] + pb_ref[...]) + (dinv * dinv) * h1_ref[...] + b1_ref[...]
    h = jnp.maximum(h, 0.0)
    h2 = jnp.dot(h, w2_ref[...], preferred_element_type=jnp.float32,
                 precision=lax.Precision.HIGHEST)
    h2_ref[...] = h2
    h2p_ref[...] = jnp.concatenate(
        [dinv * h2, jnp.zeros((h2.shape[0], D_HID - D_OUT), jnp.float32)], axis=1)


def _layer1_finish(pa, pb, h1, dinv, b1, W2):
    return pl.pallas_call(
        _layer1_kern,
        grid=(N // _BLK,),
        in_specs=[pl.BlockSpec((_BLK, D_HID), lambda i: (i, 0)),
                  pl.BlockSpec((_BLK, D_HID), lambda i: (i, 0)),
                  pl.BlockSpec((_BLK, D_HID), lambda i: (i, 0)),
                  pl.BlockSpec((_BLK, 1), lambda i: (i, 0)),
                  pl.BlockSpec((1, D_HID), lambda i: (0, 0)),
                  pl.BlockSpec((D_HID, D_OUT), lambda i: (0, 0))],
        out_specs=[pl.BlockSpec((_BLK, D_OUT), lambda i: (i, 0)),
                   pl.BlockSpec((_BLK, D_HID), lambda i: (i, 0))],
        out_shape=[jax.ShapeDtypeStruct((N, D_OUT), jnp.float32),
                   jax.ShapeDtypeStruct((N, D_HID), jnp.float32)],
    )(pa, pb, h1, dinv, b1, W2)


def _final_kern(pa_ref, pb_ref, h2_ref, dinv_ref, b2_ref, z_ref):
    dinv = dinv_ref[...]
    z_ref[...] = (dinv * (pa_ref[...] + pb_ref[...])
                  + (dinv * dinv) * h2_ref[...] + b2_ref[...])


def _final(pa, pb, h2, dinv, b2):
    return pl.pallas_call(
        _final_kern,
        grid=(N // _BLK,),
        in_specs=[pl.BlockSpec((_BLK, D_OUT), lambda i: (i, 0)),
                  pl.BlockSpec((_BLK, D_OUT), lambda i: (i, 0)),
                  pl.BlockSpec((_BLK, D_OUT), lambda i: (i, 0)),
                  pl.BlockSpec((_BLK, 1), lambda i: (i, 0)),
                  pl.BlockSpec((1, D_OUT), lambda i: (0, 0))],
        out_specs=pl.BlockSpec((_BLK, D_OUT), lambda i: (i, 0)),
        out_shape=jax.ShapeDtypeStruct((N, D_OUT), jnp.float32),
    )(pa, pb, h2, dinv, b2)



def _edge_layout(idx, fill):
    e0 = NS * NB_C0 * EB
    c0 = jnp.full((NS, NBMAX, EB), fill, jnp.int32).at[:, :NB_C0].set(
        idx[:e0].reshape(NS, NB_C0, EB))
    c1 = jnp.concatenate(
        [idx[e0:], jnp.full((NS * NB_C1 * EB - (E - e0),), fill, jnp.int32)]
    ).reshape(NS, NB_C1, EB)
    c1 = jnp.full((NS, NBMAX, EB), fill, jnp.int32).at[:, :NB_C1].set(c1)
    return jnp.stack([c0, c1])


def kernel(x, edge_index, W1, b1, W2, b2):
    src = edge_index[0].astype(jnp.int32)
    dst = edge_index[1].astype(jnp.int32)
    src_r = _edge_layout(src, 0)
    dst_r = _edge_layout(dst, PAD_ROW)
    dst_bal = jnp.concatenate(
        [dst, jnp.full((E_PAD_H - E,), PAD_ROW, jnp.int32)]
    ).reshape(NC, NS, NB_H, EB)

    zacc = jnp.zeros((ROWS_SUB, D_HID), jnp.float32)
    zrow = jnp.zeros((N_ACC,), jnp.float32)

    histp = _hist()(dst_bal, zrow)
    deg = jnp.sum(histp[:, :N], axis=0)[:, None]
    h1 = _mm1(x, W1)
    dinv, h1p = _dinv_scale(deg, h1)
    acc1 = _make_msg(D_HID)(h1p, src_r, dst_r, zacc)
    h2, h2p = _layer1_finish(acc1[0, :N], acc1[1, :N], h1, dinv,
                             b1.reshape(1, -1), W2)
    acc2 = _make_msg(D_HID)(h2p, src_r, dst_r, zacc)
    return _final(acc2[0, :N, :D_OUT], acc2[1, :N, :D_OUT], h2, dinv,
                  b2.reshape(1, -1))

# --- scband reference (transcript-rebuilt; emitter-appended) ---
"""Pipeline reference for scband-gcn-3461743640613 (READ-ONLY COPY).

The authoritative reference and input builder live on the scoring server;
editing this copy changes nothing except your own understanding.
"""

import jax, jax.numpy as jnp
import numpy as np

N_NODES = 10000
N_EDGES = 320000
D_IN = 128
D_HID = 128
D_OUT = D_HID // 2


def setup_inputs(seed: int = 0) -> dict:
    key = jax.random.key(seed)
    k1, k2, k3, k4, k5, k6 = jax.random.split(key, 6)
    x = jax.random.normal(k1, (N_NODES, D_IN), dtype=jnp.float32)
    edge_index = jax.random.randint(k2, (2, N_EDGES), 0, N_NODES, dtype=jnp.int64)
    # glorot-style init like torch GCNConv
    W1 = jax.random.normal(k3, (D_IN, D_HID), dtype=jnp.float32) * (1.0 / np.sqrt(D_IN))
    b1 = jnp.zeros((D_HID,), dtype=jnp.float32)
    W2 = jax.random.normal(k4, (D_HID, D_OUT), dtype=jnp.float32) * (1.0 / np.sqrt(D_HID))
    b2 = jnp.zeros((D_OUT,), dtype=jnp.float32)
    return {"x": x, "edge_index": edge_index, "W1": W1, "b1": b1, "W2": W2, "b2": b2}


def _gcn_layer(x, src, dst, W, b, num_nodes):
    # GCNConv: D^{-1/2} (A + I) D^{-1/2} X W + b  (self-loops already appended to src/dst)
    deg = jax.ops.segment_sum(jnp.ones_like(dst, dtype=x.dtype), dst, num_segments=num_nodes)
    dinv = jnp.where(deg > 0, 1.0 / jnp.sqrt(deg), 0.0)
    norm = dinv[src] * dinv[dst]
    h = x @ W
    msg = jnp.take(h, src, axis=0) * norm[:, None]
    out = jax.ops.segment_sum(msg, dst, num_segments=num_nodes)
    return out + b


def reference(x, edge_index, W1, b1, W2, b2):
    N = x.shape[0]
    loop = jnp.arange(N, dtype=edge_index.dtype)
    src = jnp.concatenate([edge_index[0], loop])
    dst = jnp.concatenate([edge_index[1], loop])
    h = jax.nn.relu(_gcn_layer(x, src, dst, W1, b1, N))
    z = _gcn_layer(h, src, dst, W2, b2, N)
    return z

if __name__ == "__main__":
    import jax
    _d = setup_inputs()
    print(jax.jit(kernel)(*tuple(_d.values())))

</pallas_src>

<mosaic_0001>
#map = affine_map<(d0, d1) -> (0, 0, 0, 0)>
#map1 = affine_map<(d0, d1) -> (0)>
#map2 = affine_map<(d0, d1) -> (0, 0)>
module attributes {stable_mosaic.version = 14 : i64} {
  func.func @_hist_body(%arg0: i32, %arg1: i32, %arg2: memref<2x16x80x128xi32, #tpu.memory_space<hbm>>, %arg3: memref<10240xf32, #tpu.memory_space<hbm>>, %arg4: memref<32x10240xf32, #tpu.memory_space<hbm>>, %arg5: memref<80x128xi32, #tpu.memory_space<vmem>>, %arg6: memref<10240xf32, #tpu.memory_space<vmem>>) attributes {dimension_semantics = [#tpu.dimension_semantics<core_parallel>, #tpu.dimension_semantics<subcore_parallel>], iteration_bounds = array<i64: 2, 16>, scalar_prefetch = 0 : i64, scratch_operands = 2 : i64, tpu.core_type = #tpu.core_type<sc_vector_subcore>, window_params = [{transform_indices = #map}, {transform_indices = #map1}, {transform_indices = #map2}]} {
    %mul3A = arith.constant 2 : i32
    %mul3A_0 = arith.muli %arg1, %mul3A : i32
    %add3A = arith.addi %mul3A_0, %arg0 : i32
    "tpu.region"() ({
      %run_scoped3A = tpu.sem_alloc : memref<!tpu.dma_semaphore, #tpu.memory_space<semaphore_mem>>
      %dma_start3A = arith.constant 0 : i32
      %dma_start3A_6 = arith.constant 0 : i32
      %dma_start3A_7 = tpu.memref_slice %arg2[%arg0, %arg1, %dma_start3A, %dma_start3A_6] : memref<2x16x80x128xi32, #tpu.memory_space<hbm>> -> memref<1x1x80x128xi32, #tpu.memory_space<hbm>>
      %dma_start3A_8 = tpu.memref_squeeze %dma_start3A_7 : memref<1x1x80x128xi32, #tpu.memory_space<hbm>> -> memref<80x128xi32, #tpu.memory_space<hbm>>
      %dma_start3A_9 = arith.constant 0 : i32
      %dma_start3A_10 = arith.constant 0 : i32
      %dma_start3A_11 = tpu.memref_slice %arg2[%arg0, %arg1, %dma_start3A_9, %dma_start3A_10] : memref<2x16x80x128xi32, #tpu.memory_space<hbm>> -> memref<1x1x80x128xi32, #tpu.memory_space<hbm>>
      %dma_start3A_12 = tpu.memref_squeeze %dma_start3A_11 : memref<1x1x80x128xi32, #tpu.memory_space<hbm>> -> memref<80x128xi32, #tpu.memory_space<hbm>>
      tpu.enqueue_dma source(%dma_start3A_12 : memref<80x128xi32, #tpu.memory_space<hbm>>) target(%arg5 : memref<80x128xi32, #tpu.memory_space<vmem>>) target_semaphore(%run_scoped3A : memref<!tpu.dma_semaphore, #tpu.memory_space<semaphore_mem>>)
      %dma_wait3A = arith.constant 0 : i32
      %dma_wait3A_13 = arith.constant 0 : i32
      %dma_wait3A_14 = tpu.memref_slice %arg2[%arg0, %arg1, %dma_wait3A, %dma_wait3A_13] : memref<2x16x80x128xi32, #tpu.memory_space<hbm>> -> memref<1x1x80x128xi32, #tpu.memory_space<hbm>>
      %dma_wait3A_15 = tpu.memref_squeeze %dma_wait3A_14 : memref<1x1x80x128xi32, #tpu.memory_space<hbm>> -> memref<80x128xi32, #tpu.memory_space<hbm>>
      %dma_wait3A_16 = arith.constant 0 : i32
      %dma_wait3A_17 = arith.constant 0 : i32
      %dma_wait3A_18 = tpu.memref_slice %arg2[%arg0, %arg1, %dma_wait3A_16, %dma_wait3A_17] : memref<2x16x80x128xi32, #tpu.memory_space<hbm>> -> memref<1x1x80x128xi32, #tpu.memory_space<hbm>>
      %dma_wait3A_19 = tpu.memref_squeeze %dma_wait3A_18 : memref<1x1x80x128xi32, #tpu.memory_space<hbm>> -> memref<80x128xi32, #tpu.memory_space<hbm>>
      tpu.wait_dma2 semaphore(%run_scoped3A : memref<!tpu.dma_semaphore, #tpu.memory_space<semaphore_mem>>) src(%dma_wait3A_19 : memref<80x128xi32, #tpu.memory_space<hbm>>) dst(%arg5 : memref<80x128xi32, #tpu.memory_space<vmem>>)
      tpu.yield
    }) : () -> ()
    "tpu.region"() ({
      %run_scoped3A = tpu.sem_alloc : memref<!tpu.dma_semaphore, #tpu.memory_space<semaphore_mem>>
      tpu.enqueue_dma source(%arg3 : memref<10240xf32, #tpu.memory_space<hbm>>) target(%arg6 : memref<10240xf32, #tpu.memory_space<vmem>>) target_semaphore(%run_scoped3A : memref<!tpu.dma_semaphore, #tpu.memory_space<semaphore_mem>>)
      tpu.wait_dma2 semaphore(%run_scoped3A : memref<!tpu.dma_semaphore, #tpu.memory_space<semaphore_mem>>) src(%arg3 : memref<10240xf32, #tpu.memory_space<hbm>>) dst(%arg6 : memref<10240xf32, #tpu.memory_space<vmem>>)
      tpu.yield
    }) : () -> ()
    %broadcast_in_dim3A = arith.constant 1.000000e+00 : f32
    %broadcast_in_dim3A_1 = vector.broadcast %broadcast_in_dim3A : f32 to vector<16xf32>
    %scan3A = arith.constant 0 : i32
    %scan3A_2 = arith.constant 80 : i32
    %scan3A_3 = arith.addi %scan3A, %scan3A_2 : i32
    %scan3A_4 = arith.constant 1 : i32
    scf.for %scan3A_6 = %scan3A to %scan3A_3 step %scan3A_4  : i32 {
      %mul3A_7 = arith.constant 1 : i32
      %mul3A_8 = arith.muli %scan3A_6, %mul3A_7 : i32
      %add3A_9 = arith.constant 0 : i32
      %add3A_10 = arith.addi %add3A_9, %mul3A_8 : i32
      %scan3A_11 = arith.constant 0 : i32
      %scan3A_12 = arith.constant 8 : i32
      %scan3A_13 = arith.addi %scan3A_11, %scan3A_12 : i32
      %scan3A_14 = arith.constant 1 : i32
      scf.for %scan3A_16 = %scan3A_11 to %scan3A_13 step %scan3A_14  : i32 {
        %mul3A_17 = arith.constant 16 : i32
        %mul3A_18 = arith.muli %scan3A_16, %mul3A_17 : i32
        %add3A_19 = arith.constant 0 : i32
        %add3A_20 = arith.addi %add3A_19, %mul3A_18 : i32
        %get3A = arith.index_cast %add3A_10 : i32 to index
        %get3A_21 = arith.index_cast %add3A_20 : i32 to index
        %get3A_22 = tpu.vector_load %arg5[%get3A, %get3A_21] {strides = array<i32>} : memref<80x128xi32, #tpu.memory_space<vmem>>, vector<16xi32>,
        tpu.vector_store_idx %arg6[%get3A_22], %broadcast_in_dim3A_1 {add = true} : memref<10240xf32, #tpu.memory_space<vmem>>[vector<16xi32>], vector<16xf32>,
      }
      %scan3A_15 = arith.constant 8 : i32
    }
    %scan3A_5 = arith.constant 80 : i32
    "tpu.region"() ({
      %run_scoped3A = tpu.sem_alloc : memref<!tpu.dma_semaphore, #tpu.memory_space<semaphore_mem>>
      %dma_start3A = arith.constant 0 : i32
      %dma_start3A_6 = tpu.memref_slice %arg4[%add3A, %dma_start3A] : memref<32x10240xf32, #tpu.memory_space<hbm>> -> memref<1x10240xf32, #tpu.memory_space<hbm>>
      %dma_start3A_7 = tpu.memref_squeeze %dma_start3A_6 : memref<1x10240xf32, #tpu.memory_space<hbm>> -> memref<10240xf32, #tpu.memory_space<hbm>>
      %dma_start3A_8 = arith.constant 0 : i32
      %dma_start3A_9 = tpu.memref_slice %arg4[%add3A, %dma_start3A_8] : memref<32x10240xf32, #tpu.memory_space<hbm>> -> memref<1x10240xf32, #tpu.memory_space<hbm>>
      %dma_start3A_10 = tpu.memref_squeeze %dma_start3A_9 : memref<1x10240xf32, #tpu.memory_space<hbm>> -> memref<10240xf32, #tpu.memory_space<hbm>>
      tpu.enqueue_dma source(%arg6 : memref<10240xf32, #tpu.memory_space<vmem>>) target(%dma_start3A_10 : memref<10240xf32, #tpu.memory_space<hbm>>) target_semaphore(%run_scoped3A : memref<!tpu.dma_semaphore, #tpu.memory_space<semaphore_mem>>)
      %dma_wait3A = arith.constant 0 : i32
      %dma_wait3A_11 = tpu.memref_slice %arg4[%add3A, %dma_wait3A] : memref<32x10240xf32, #tpu.memory_space<hbm>> -> memref<1x10240xf32, #tpu.memory_space<hbm>>
      %dma_wait3A_12 = tpu.memref_squeeze %dma_wait3A_11 : memref<1x10240xf32, #tpu.memory_space<hbm>> -> memref<10240xf32, #tpu.memory_space<hbm>>
      %dma_wait3A_13 = arith.constant 0 : i32
      %dma_wait3A_14 = tpu.memref_slice %arg4[%add3A, %dma_wait3A_13] : memref<32x10240xf32, #tpu.memory_space<hbm>> -> memref<1x10240xf32, #tpu.memory_space<hbm>>
      %dma_wait3A_15 = tpu.memref_squeeze %dma_wait3A_14 : memref<1x10240xf32, #tpu.memory_space<hbm>> -> memref<10240xf32, #tpu.memory_space<hbm>>
      tpu.wait_dma2 semaphore(%run_scoped3A : memref<!tpu.dma_semaphore, #tpu.memory_space<semaphore_mem>>) src(%arg6 : memref<10240xf32, #tpu.memory_space<vmem>>) dst(%dma_wait3A_15 : memref<10240xf32, #tpu.memory_space<hbm>>)
      tpu.yield
    }) : () -> ()
    return
  }
}

#map = affine_map<(d0, d1) -> (0, 0)>
#map1 = affine_map<(d0, d1) -> (0, 0, 0, 0)>
#map2 = affine_map<(d0, d1) -> (0, 0, 0)>
module attributes {stable_mosaic.version = 14 : i64} {
  func.func @_msg_body(%arg0: i32, %arg1: i32, %arg2: memref<10000x128xf32, #tpu.memory_space<hbm>>, %arg3: memref<2x16x97x128xi32, #tpu.memory_space<hbm>>, %arg4: memref<2x16x97x128xi32, #tpu.memory_space<hbm>>, %arg5: memref<640x128xf32, #tpu.memory_space<hbm>>, %arg6: memref<2x10240x128xf32, #tpu.memory_space<hbm>>, %arg7: memref<97x128xi32, #tpu.memory_space<vmem>>, %arg8: memref<97x128xi32, #tpu.memory_space<vmem>>, %arg9: memref<128x128xf32, #tpu.memory_space<vmem>>, %arg10: memref<10240x128xf32, #tpu.memory_space<vmem_shared>>, %arg11: memref<!tpu.dma_semaphore, #tpu.memory_space<semaphore_mem>>) attributes {dimension_semantics = [#tpu.dimension_semantics<core_parallel>, #tpu.dimension_semantics<subcore_parallel>], iteration_bounds = array<i64: 2, 16>, scalar_prefetch = 0 : i64, scratch_operands = 5 : i64, tpu.core_type = #tpu.core_type<sc_vector_subcore>, window_params = [{transform_indices = #map}, {transform_indices = #map1}, {transform_indices = #map1}, {transform_indices = #map}, {transform_indices = #map2}]} {
    "tpu.region"() ({
      %run_scoped3A = tpu.sem_alloc : memref<!tpu.dma_semaphore, #tpu.memory_space<semaphore_mem>>
      %dma_start3A = arith.constant 0 : i32
      %dma_start3A_10 = arith.constant 0 : i32
      %dma_start3A_11 = tpu.memref_slice %arg3[%arg0, %arg1, %dma_start3A, %dma_start3A_10] : memref<2x16x97x128xi32, #tpu.memory_space<hbm>> -> memref<1x1x97x128xi32, #tpu.memory_space<hbm>>
      %dma_start3A_12 = tpu.memref_squeeze %dma_start3A_11 : memref<1x1x97x128xi32, #tpu.memory_space<hbm>> -> memref<97x128xi32, #tpu.memory_space<hbm>>
      %dma_start3A_13 = arith.constant 0 : i32
      %dma_start3A_14 = arith.constant 0 : i32
      %dma_start3A_15 = tpu.memref_slice %arg3[%arg0, %arg1, %dma_start3A_13, %dma_start3A_14] : memref<2x16x97x128xi32, #tpu.memory_space<hbm>> -> memref<1x1x97x128xi32, #tpu.memory_space<hbm>>
      %dma_start3A_16 = tpu.memref_squeeze %dma_start3A_15 : memref<1x1x97x128xi32, #tpu.memory_space<hbm>> -> memref<97x128xi32, #tpu.memory_space<hbm>>
      tpu.enqueue_dma source(%dma_start3A_16 : memref<97x128xi32, #tpu.memory_space<hbm>>) target(%arg7 : memref<97x128xi32, #tpu.memory_space<vmem>>) target_semaphore(%run_scoped3A : memref<!tpu.dma_semaphore, #tpu.memory_space<semaphore_mem>>)
      %dma_wait3A = arith.constant 0 : i32
      %dma_wait3A_17 = arith.constant 0 : i32
      %dma_wait3A_18 = tpu.memref_slice %arg3[%arg0, %arg1, %dma_wait3A, %dma_wait3A_17] : memref<2x16x97x128xi32, #tpu.memory_space<hbm>> -> memref<1x1x97x128xi32, #tpu.memory_space<hbm>>
      %dma_wait3A_19 = tpu.memref_squeeze %dma_wait3A_18 : memref<1x1x97x128xi32, #tpu.memory_space<hbm>> -> memref<97x128xi32, #tpu.memory_space<hbm>>
      %dma_wait3A_20 = arith.constant 0 : i32
      %dma_wait3A_21 = arith.constant 0 : i32
      %dma_wait3A_22 = tpu.memref_slice %arg3[%arg0, %arg1, %dma_wait3A_20, %dma_wait3A_21] : memref<2x16x97x128xi32, #tpu.memory_space<hbm>> -> memref<1x1x97x128xi32, #tpu.memory_space<hbm>>
      %dma_wait3A_23 = tpu.memref_squeeze %dma_wait3A_22 : memref<1x1x97x128xi32, #tpu.memory_space<hbm>> -> memref<97x128xi32, #tpu.memory_space<hbm>>
      tpu.wait_dma2 semaphore(%run_scoped3A : memref<!tpu.dma_semaphore, #tpu.memory_space<semaphore_mem>>) src(%dma_wait3A_23 : memref<97x128xi32, #tpu.memory_space<hbm>>) dst(%arg7 : memref<97x128xi32, #tpu.memory_space<vmem>>)
      tpu.yield
    }) : () -> ()
    "tpu.region"() ({
      %run_scoped3A = tpu.sem_alloc : memref<!tpu.dma_semaphore, #tpu.memory_space<semaphore_mem>>
      %dma_start3A = arith.constant 0 : i32
      %dma_start3A_10 = arith.constant 0 : i32
      %dma_start3A_11 = tpu.memref_slice %arg4[%arg0, %arg1, %dma_start3A, %dma_start3A_10] : memref<2x16x97x128xi32, #tpu.memory_space<hbm>> -> memref<1x1x97x128xi32, #tpu.memory_space<hbm>>
      %dma_start3A_12 = tpu.memref_squeeze %dma_start3A_11 : memref<1x1x97x128xi32, #tpu.memory_space<hbm>> -> memref<97x128xi32, #tpu.memory_space<hbm>>
      %dma_start3A_13 = arith.constant 0 : i32
      %dma_start3A_14 = arith.constant 0 : i32
      %dma_start3A_15 = tpu.memref_slice %arg4[%arg0, %arg1, %dma_start3A_13, %dma_start3A_14] : memref<2x16x97x128xi32, #tpu.memory_space<hbm>> -> memref<1x1x97x128xi32, #tpu.memory_space<hbm>>
      %dma_start3A_16 = tpu.memref_squeeze %dma_start3A_15 : memref<1x1x97x128xi32, #tpu.memory_space<hbm>> -> memref<97x128xi32, #tpu.memory_space<hbm>>
      tpu.enqueue_dma source(%dma_start3A_16 : memref<97x128xi32, #tpu.memory_space<hbm>>) target(%arg8 : memref<97x128xi32, #tpu.memory_space<vmem>>) target_semaphore(%run_scoped3A : memref<!tpu.dma_semaphore, #tpu.memory_space<semaphore_mem>>)
      %dma_wait3A = arith.constant 0 : i32
      %dma_wait3A_17 = arith.constant 0 : i32
      %dma_wait3A_18 = tpu.memref_slice %arg4[%arg0, %arg1, %dma_wait3A, %dma_wait3A_17] : memref<2x16x97x128xi32, #tpu.memory_space<hbm>> -> memref<1x1x97x128xi32, #tpu.memory_space<hbm>>
      %dma_wait3A_19 = tpu.memref_squeeze %dma_wait3A_18 : memref<1x1x97x128xi32, #tpu.memory_space<hbm>> -> memref<97x128xi32, #tpu.memory_space<hbm>>
      %dma_wait3A_20 = arith.constant 0 : i32
      %dma_wait3A_21 = arith.constant 0 : i32
      %dma_wait3A_22 = tpu.memref_slice %arg4[%arg0, %arg1, %dma_wait3A_20, %dma_wait3A_21] : memref<2x16x97x128xi32, #tpu.memory_space<hbm>> -> memref<1x1x97x128xi32, #tpu.memory_space<hbm>>
      %dma_wait3A_23 = tpu.memref_squeeze %dma_wait3A_22 : memref<1x1x97x128xi32, #tpu.memory_space<hbm>> -> memref<97x128xi32, #tpu.memory_space<hbm>>
      tpu.wait_dma2 semaphore(%run_scoped3A : memref<!tpu.dma_semaphore, #tpu.memory_space<semaphore_mem>>) src(%dma_wait3A_23 : memref<97x128xi32, #tpu.memory_space<hbm>>) dst(%arg8 : memref<97x128xi32, #tpu.memory_space<vmem>>)
      tpu.yield
    }) : () -> ()
    %mul3A = arith.constant 640 : i32
    %mul3A_0 = arith.muli %arg1, %mul3A : i32
    "tpu.region"() ({
      %run_scoped3A = tpu.sem_alloc : memref<!tpu.dma_semaphore, #tpu.memory_space<semaphore_mem>>
      %dma_start3A = arith.constant 0 : i32
      %dma_start3A_10 = tpu.memref_slice %arg10[%mul3A_0, %dma_start3A] : memref<10240x128xf32, #tpu.memory_space<vmem_shared>> -> memref<640x128xf32, #tpu.memory_space<vmem_shared>>
      tpu.enqueue_dma source(%arg5 : memref<640x128xf32, #tpu.memory_space<hbm>>) target(%dma_start3A_10 : memref<640x128xf32, #tpu.memory_space<vmem_shared>>) target_semaphore(%run_scoped3A : memref<!tpu.dma_semaphore, #tpu.memory_space<semaphore_mem>>)
      %dma_wait3A = arith.constant 0 : i32
      %dma_wait3A_11 = tpu.memref_slice %arg10[%mul3A_0, %dma_wait3A] : memref<10240x128xf32, #tpu.memory_space<vmem_shared>> -> memref<640x128xf32, #tpu.memory_space<vmem_shared>>
      tpu.wait_dma2 semaphore(%run_scoped3A : memref<!tpu.dma_semaphore, #tpu.memory_space<semaphore_mem>>) src(%arg5 : memref<640x128xf32, #tpu.memory_space<hbm>>) dst(%dma_wait3A_11 : memref<640x128xf32, #tpu.memory_space<vmem_shared>>)
      tpu.yield
    }) : () -> ()
    %barrier3A = arith.constant 0 : index
    tpu.barrier barrier_id(%barrier3A)
    %eq3A = arith.constant 0 : i32
    %eq3A_1 = arith.cmpi eq, %arg0, %eq3A : i32
    %convert_element_type3A = arith.extui %eq3A_1 : i1 to i32
    %cond3A = arith.constant 0 : i32
    %cond3A_2 = arith.cmpi ne, %convert_element_type3A, %cond3A : i32
    scf.if %cond3A_2 {
      %scan3A = arith.constant 0 : i32
      %scan3A_10 = arith.constant 97 : i32
      %scan3A_11 = arith.addi %scan3A, %scan3A_10 : i32
      %scan3A_12 = arith.constant 1 : i32
      scf.for %scan3A_14 = %scan3A to %scan3A_11 step %scan3A_12  : i32 {
        %mul3A_15 = arith.constant 1 : i32
        %mul3A_16 = arith.muli %scan3A_14, %mul3A_15 : i32
        %add3A = arith.constant 0 : i32
        %add3A_17 = arith.addi %add3A, %mul3A_16 : i32
        %dma_start3A = arith.constant 0 : i32
        %dma_start3A_18 = tpu.memref_slice %arg7[%add3A_17, %dma_start3A] : memref<97x128xi32, #tpu.memory_space<vmem>> -> memref<1x128xi32, #tpu.memory_space<vmem>>
        %dma_start3A_19 = tpu.memref_squeeze %dma_start3A_18 : memref<1x128xi32, #tpu.memory_space<vmem>> -> memref<128xi32, #tpu.memory_space<vmem>>
        %dma_start3A_20 = arith.constant 0 : i32
        %dma_start3A_21 = arith.constant 0 : i32
        %dma_start3A_22 = tpu.memref_slice %arg2[%dma_start3A_20, %dma_start3A_21] : memref<10000x128xf32, #tpu.memory_space<hbm>> -> memref<10000x128xf32, #tpu.memory_space<hbm>>
        tpu.enqueue_indirect_dma source(%dma_start3A_22 : memref<10000x128xf32, #tpu.memory_space<hbm>>) target(%arg9 : memref<128x128xf32, #tpu.memory_space<vmem>>) offsets(%dma_start3A_19 : memref<128xi32, #tpu.memory_space<vmem>>) semaphore(%arg11 : memref<!tpu.dma_semaphore, #tpu.memory_space<semaphore_mem>>)
        %dma_wait3A = arith.constant 0 : i32
        %dma_wait3A_23 = tpu.memref_slice %arg7[%add3A_17, %dma_wait3A] : memref<97x128xi32, #tpu.memory_space<vmem>> -> memref<1x128xi32, #tpu.memory_space<vmem>>
        %dma_wait3A_24 = tpu.memref_squeeze %dma_wait3A_23 : memref<1x128xi32, #tpu.memory_space<vmem>> -> memref<128xi32, #tpu.memory_space<vmem>>
        %dma_wait3A_25 = arith.constant 0 : i32
        %dma_wait3A_26 = arith.constant 0 : i32
        %dma_wait3A_27 = tpu.memref_slice %arg2[%dma_wait3A_25, %dma_wait3A_26] : memref<10000x128xf32, #tpu.memory_space<hbm>> -> memref<10000x128xf32, #tpu.memory_space<hbm>>
        tpu.wait_indirect_dma semaphore(%arg11 : memref<!tpu.dma_semaphore, #tpu.memory_space<semaphore_mem>>) src(%dma_wait3A_27 : memref<10000x128xf32, #tpu.memory_space<hbm>>) dst(%arg9 : memref<128x128xf32, #tpu.memory_space<vmem>>)
        "tpu.region"() ({
          %run_scoped3A = tpu.sem_alloc : memref<!tpu.dma_semaphore, #tpu.memory_space<semaphore_mem>>
          %dma_start3A_28 = arith.constant 0 : i32
          %dma_start3A_29 = tpu.memref_slice %arg8[%add3A_17, %dma_start3A_28] : memref<97x128xi32, #tpu.memory_space<vmem>> -> memref<1x128xi32, #tpu.memory_space<vmem>>
          %dma_start3A_30 = tpu.memref_squeeze %dma_start3A_29 : memref<1x128xi32, #tpu.memory_space<vmem>> -> memref<128xi32, #tpu.memory_space<vmem>>
          %dma_start3A_31 = arith.constant 0 : i32
          %dma_start3A_32 = arith.constant 0 : i32
          %dma_start3A_33 = tpu.memref_slice %arg10[%dma_start3A_31, %dma_start3A_32] : memref<10240x128xf32, #tpu.memory_space<vmem_shared>> -> memref<10240x128xf32, #tpu.memory_space<vmem_shared>>
          tpu.enqueue_indirect_dma source(%arg9 : memref<128x128xf32, #tpu.memory_space<vmem>>) target(%dma_start3A_33 : memref<10240x128xf32, #tpu.memory_space<vmem_shared>>) offsets(%dma_start3A_30 : memref<128xi32, #tpu.memory_space<vmem>>) semaphore(%run_scoped3A : memref<!tpu.dma_semaphore, #tpu.memory_space<semaphore_mem>>) {add = true}
          %dma_wait3A_34 = arith.constant 0 : i32
          %dma_wait3A_35 = tpu.memref_slice %arg8[%add3A_17, %dma_wait3A_34] : memref<97x128xi32, #tpu.memory_space<vmem>> -> memref<1x128xi32, #tpu.memory_space<vmem>>
          %dma_wait3A_36 = tpu.memref_squeeze %dma_wait3A_35 : memref<1x128xi32, #tpu.memory_space<vmem>> -> memref<128xi32, #tpu.memory_space<vmem>>
          %dma_wait3A_37 = arith.constant 0 : i32
          %dma_wait3A_38 = arith.constant 0 : i32
          %dma_wait3A_39 = tpu.memref_slice %arg10[%dma_wait3A_37, %dma_wait3A_38] : memref<10240x128xf32, #tpu.memory_space<vmem_shared>> -> memref<10240x128xf32, #tpu.memory_space<vmem_shared>>
          tpu.wait_indirect_dma semaphore(%run_scoped3A : memref<!tpu.dma_semaphore, #tpu.memory_space<semaphore_mem>>) src(%arg9 : memref<128x128xf32, #tpu.memory_space<vmem>>) dst(%dma_wait3A_39 : memref<10240x128xf32, #tpu.memory_space<vmem_shared>>)
          tpu.yield
        }) : () -> ()
      }
      %scan3A_13 = arith.constant 97 : i32
    } else {
    }
    %ne3A = arith.constant 0 : i32
    %ne3A_3 = arith.cmpi ne, %arg0, %ne3A : i32
    %convert_element_type3A_4 = arith.extui %ne3A_3 : i1 to i32
    %cond3A_5 = arith.constant 0 : i32
    %cond3A_6 = arith.cmpi ne, %convert_element_type3A_4, %cond3A_5 : i32
    scf.if %cond3A_6 {
      %scan3A = arith.constant 0 : i32
      %scan3A_10 = arith.constant 60 : i32
      %scan3A_11 = arith.addi %scan3A, %scan3A_10 : i32
      %scan3A_12 = arith.constant 1 : i32
      scf.for %scan3A_14 = %scan3A to %scan3A_11 step %scan3A_12  : i32 {
        %mul3A_15 = arith.constant 1 : i32
        %mul3A_16 = arith.muli %scan3A_14, %mul3A_15 : i32
        %add3A = arith.constant 0 : i32
        %add3A_17 = arith.addi %add3A, %mul3A_16 : i32
        %dma_start3A = arith.constant 0 : i32
        %dma_start3A_18 = tpu.memref_slice %arg7[%add3A_17, %dma_start3A] : memref<97x128xi32, #tpu.memory_space<vmem>> -> memref<1x128xi32, #tpu.memory_space<vmem>>
        %dma_start3A_19 = tpu.memref_squeeze %dma_start3A_18 : memref<1x128xi32, #tpu.memory_space<vmem>> -> memref<128xi32, #tpu.memory_space<vmem>>
        %dma_start3A_20 = arith.constant 0 : i32
        %dma_start3A_21 = arith.constant 0 : i32
        %dma_start3A_22 = tpu.memref_slice %arg2[%dma_start3A_20, %dma_start3A_21] : memref<10000x128xf32, #tpu.memory_space<hbm>> -> memref<10000x128xf32, #tpu.memory_space<hbm>>
        tpu.enqueue_indirect_dma source(%dma_start3A_22 : memref<10000x128xf32, #tpu.memory_space<hbm>>) target(%arg9 : memref<128x128xf32, #tpu.memory_space<vmem>>) offsets(%dma_start3A_19 : memref<128xi32, #tpu.memory_space<vmem>>) semaphore(%arg11 : memref<!tpu.dma_semaphore, #tpu.memory_space<semaphore_mem>>)
        %dma_wait3A = arith.constant 0 : i32
        %dma_wait3A_23 = tpu.memref_slice %arg7[%add3A_17, %dma_wait3A] : memref<97x128xi32, #tpu.memory_space<vmem>> -> memref<1x128xi32, #tpu.memory_space<vmem>>
        %dma_wait3A_24 = tpu.memref_squeeze %dma_wait3A_23 : memref<1x128xi32, #tpu.memory_space<vmem>> -> memref<128xi32, #tpu.memory_space<vmem>>
        %dma_wait3A_25 = arith.constant 0 : i32
        %dma_wait3A_26 = arith.constant 0 : i32
        %dma_wait3A_27 = tpu.memref_slice %arg2[%dma_wait3A_25, %dma_wait3A_26] : memref<10000x128xf32, #tpu.memory_space<hbm>> -> memref<10000x128xf32, #tpu.memory_space<hbm>>
        tpu.wait_indirect_dma semaphore(%arg11 : memref<!tpu.dma_semaphore, #tpu.memory_space<semaphore_mem>>) src(%dma_wait3A_27 : memref<10000x128xf32, #tpu.memory_space<hbm>>) dst(%arg9 : memref<128x128xf32, #tpu.memory_space<vmem>>)
        "tpu.region"() ({
          %run_scoped3A = tpu.sem_alloc : memref<!tpu.dma_semaphore, #tpu.memory_space<semaphore_mem>>
          %dma_start3A_28 = arith.constant 0 : i32
          %dma_start3A_29 = tpu.memref_slice %arg8[%add3A_17, %dma_start3A_28] : memref<97x128xi32, #tpu.memory_space<vmem>> -> memref<1x128xi32, #tpu.memory_space<vmem>>
          %dma_start3A_30 = tpu.memref_squeeze %dma_start3A_29 : memref<1x128xi32, #tpu.memory_space<vmem>> -> memref<128xi32, #tpu.memory_space<vmem>>
          %dma_start3A_31 = arith.constant 0 : i32
          %dma_start3A_32 = arith.constant 0 : i32
          %dma_start3A_33 = tpu.memref_slice %arg10[%dma_start3A_31, %dma_start3A_32] : memref<10240x128xf32, #tpu.memory_space<vmem_shared>> -> memref<10240x128xf32, #tpu.memory_space<vmem_shared>>
          tpu.enqueue_indirect_dma source(%arg9 : memref<128x128xf32, #tpu.memory_space<vmem>>) target(%dma_start3A_33 : memref<10240x128xf32, #tpu.memory_space<vmem_shared>>) offsets(%dma_start3A_30 : memref<128xi32, #tpu.memory_space<vmem>>) semaphore(%run_scoped3A : memref<!tpu.dma_semaphore, #tpu.memory_space<semaphore_mem>>) {add = true}
          %dma_wait3A_34 = arith.constant 0 : i32
          %dma_wait3A_35 = tpu.memref_slice %arg8[%add3A_17, %dma_wait3A_34] : memref<97x128xi32, #tpu.memory_space<vmem>> -> memref<1x128xi32, #tpu.memory_space<vmem>>
          %dma_wait3A_36 = tpu.memref_squeeze %dma_wait3A_35 : memref<1x128xi32, #tpu.memory_space<vmem>> -> memref<128xi32, #tpu.memory_space<vmem>>
          %dma_wait3A_37 = arith.constant 0 : i32
          %dma_wait3A_38 = arith.constant 0 : i32
          %dma_wait3A_39 = tpu.memref_slice %arg10[%dma_wait3A_37, %dma_wait3A_38] : memref<10240x128xf32, #tpu.memory_space<vmem_shared>> -> memref<10240x128xf32, #tpu.memory_space<vmem_shared>>
          tpu.wait_indirect_dma semaphore(%run_scoped3A : memref<!tpu.dma_semaphore, #tpu.memory_space<semaphore_mem>>) src(%arg9 : memref<128x128xf32, #tpu.memory_space<vmem>>) dst(%dma_wait3A_39 : memref<10240x128xf32, #tpu.memory_space<vmem_shared>>)
          tpu.yield
        }) : () -> ()
      }
      %scan3A_13 = arith.constant 60 : i32
    } else {
    }
    %barrier3A_7 = arith.constant 0 : index
    tpu.barrier barrier_id(%barrier3A_7)
    %mul3A_8 = arith.constant 640 : i32
    %mul3A_9 = arith.muli %arg1, %mul3A_8 : i32
    "tpu.region"() ({
      %run_scoped3A = tpu.sem_alloc : memref<!tpu.dma_semaphore, #tpu.memory_space<semaphore_mem>>
      %dma_start3A = arith.constant 0 : i32
      %dma_start3A_10 = tpu.memref_slice %arg6[%arg0, %mul3A_9, %dma_start3A] : memref<2x10240x128xf32, #tpu.memory_space<hbm>> -> memref<1x640x128xf32, #tpu.memory_space<hbm>>
      %dma_start3A_11 = tpu.memref_squeeze %dma_start3A_10 : memref<1x640x128xf32, #tpu.memory_space<hbm>> -> memref<640x128xf32, #tpu.memory_space<hbm>>
      %dma_start3A_12 = arith.constant 0 : i32
      %dma_start3A_13 = tpu.memref_slice %arg10[%mul3A_9, %dma_start3A_12] : memref<10240x128xf32, #tpu.memory_space<vmem_shared>> -> memref<640x128xf32, #tpu.memory_space<vmem_shared>>
      tpu.enqueue_dma source(%dma_start3A_13 : memref<640x128xf32, #tpu.memory_space<vmem_shared>>) target(%dma_start3A_11 : memref<640x128xf32, #tpu.memory_space<hbm>>) target_semaphore(%run_scoped3A : memref<!tpu.dma_semaphore, #tpu.memory_space<semaphore_mem>>)
      %dma_wait3A = arith.constant 0 : i32
      %dma_wait3A_14 = tpu.memref_slice %arg6[%arg0, %mul3A_9, %dma_wait3A] : memref<2x10240x128xf32, #tpu.memory_space<hbm>> -> memref<1x640x128xf32, #tpu.memory_space<hbm>>
      %dma_wait3A_15 = tpu.memref_squeeze %dma_wait3A_14 : memref<1x640x128xf32, #tpu.memory_space<hbm>> -> memref<640x128xf32, #tpu.memory_space<hbm>>
      %dma_wait3A_16 = arith.constant 0 : i32
      %dma_wait3A_17 = tpu.memref_slice %arg10[%mul3A_9, %dma_wait3A_16] : memref<10240x128xf32, #tpu.memory_space<vmem_shared>> -> memref<640x128xf32, #tpu.memory_space<vmem_shared>>
      tpu.wait_dma2 semaphore(%run_scoped3A : memref<!tpu.dma_semaphore, #tpu.memory_space<semaphore_mem>>) src(%dma_wait3A_17 : memref<640x128xf32, #tpu.memory_space<vmem_shared>>) dst(%dma_wait3A_15 : memref<640x128xf32, #tpu.memory_space<hbm>>)
      tpu.yield
    }) : () -> ()
    return
  }
}

#map = affine_map<(d0, d1) -> (0, 0)>
#map1 = affine_map<(d0, d1) -> (0, 0, 0, 0)>
#map2 = affine_map<(d0, d1) -> (0, 0, 0)>
module attributes {stable_mosaic.version = 14 : i64} {
  func.func @_msg_body(%arg0: i32, %arg1: i32, %arg2: memref<10000x128xf32, #tpu.memory_space<hbm>>, %arg3: memref<2x16x97x128xi32, #tpu.memory_space<hbm>>, %arg4: memref<2x16x97x128xi32, #tpu.memory_space<hbm>>, %arg5: memref<640x128xf32, #tpu.memory_space<hbm>>, %arg6: memref<2x10240x128xf32, #tpu.memory_space<hbm>>, %arg7: memref<97x128xi32, #tpu.memory_space<vmem>>, %arg8: memref<97x128xi32, #tpu.memory_space<vmem>>, %arg9: memref<128x128xf32, #tpu.memory_space<vmem>>, %arg10: memref<10240x128xf32, #tpu.memory_space<vmem_shared>>, %arg11: memref<!tpu.dma_semaphore, #tpu.memory_space<semaphore_mem>>) attributes {dimension_semantics = [#tpu.dimension_semantics<core_parallel>, #tpu.dimension_semantics<subcore_parallel>], iteration_bounds = array<i64: 2, 16>, scalar_prefetch = 0 : i64, scratch_operands = 5 : i64, tpu.core_type = #tpu.core_type<sc_vector_subcore>, window_params = [{transform_indices = #map}, {transform_indices = #map1}, {transform_indices = #map1}, {transform_indices = #map}, {transform_indices = #map2}]} {
    "tpu.region"() ({
      %run_scoped3A = tpu.sem_alloc : memref<!tpu.dma_semaphore, #tpu.memory_space<semaphore_mem>>
      %dma_start3A = arith.constant 0 : i32
      %dma_start3A_10 = arith.constant 0 : i32
      %dma_start3A_11 = tpu.memref_slice %arg3[%arg0, %arg1, %dma_start3A, %dma_start3A_10] : memref<2x16x97x128xi32, #tpu.memory_space<hbm>> -> memref<1x1x97x128xi32, #tpu.memory_space<hbm>>
      %dma_start3A_12 = tpu.memref_squeeze %dma_start3A_11 : memref<1x1x97x128xi32, #tpu.memory_space<hbm>> -> memref<97x128xi32, #tpu.memory_space<hbm>>
      %dma_start3A_13 = arith.constant 0 : i32
      %dma_start3A_14 = arith.constant 0 : i32
      %dma_start3A_15 = tpu.memref_slice %arg3[%arg0, %arg1, %dma_start3A_13, %dma_start3A_14] : memref<2x16x97x128xi32, #tpu.memory_space<hbm>> -> memref<1x1x97x128xi32, #tpu.memory_space<hbm>>
      %dma_start3A_16 = tpu.memref_squeeze %dma_start3A_15 : memref<1x1x97x128xi32, #tpu.memory_space<hbm>> -> memref<97x128xi32, #tpu.memory_space<hbm>>
      tpu.enqueue_dma source(%dma_start3A_16 : memref<97x128xi32, #tpu.memory_space<hbm>>) target(%arg7 : memref<97x128xi32, #tpu.memory_space<vmem>>) target_semaphore(%run_scoped3A : memref<!tpu.dma_semaphore, #tpu.memory_space<semaphore_mem>>)
      %dma_wait3A = arith.constant 0 : i32
      %dma_wait3A_17 = arith.constant 0 : i32
      %dma_wait3A_18 = tpu.memref_slice %arg3[%arg0, %arg1, %dma_wait3A, %dma_wait3A_17] : memref<2x16x97x128xi32, #tpu.memory_space<hbm>> -> memref<1x1x97x128xi32, #tpu.memory_space<hbm>>
      %dma_wait3A_19 = tpu.memref_squeeze %dma_wait3A_18 : memref<1x1x97x128xi32, #tpu.memory_space<hbm>> -> memref<97x128xi32, #tpu.memory_space<hbm>>
      %dma_wait3A_20 = arith.constant 0 : i32
      %dma_wait3A_21 = arith.constant 0 : i32
      %dma_wait3A_22 = tpu.memref_slice %arg3[%arg0, %arg1, %dma_wait3A_20, %dma_wait3A_21] : memref<2x16x97x128xi32, #tpu.memory_space<hbm>> -> memref<1x1x97x128xi32, #tpu.memory_space<hbm>>
      %dma_wait3A_23 = tpu.memref_squeeze %dma_wait3A_22 : memref<1x1x97x128xi32, #tpu.memory_space<hbm>> -> memref<97x128xi32, #tpu.memory_space<hbm>>
      tpu.wait_dma2 semaphore(%run_scoped3A : memref<!tpu.dma_semaphore, #tpu.memory_space<semaphore_mem>>) src(%dma_wait3A_23 : memref<97x128xi32, #tpu.memory_space<hbm>>) dst(%arg7 : memref<97x128xi32, #tpu.memory_space<vmem>>)
      tpu.yield
    }) : () -> ()
    "tpu.region"() ({
      %run_scoped3A = tpu.sem_alloc : memref<!tpu.dma_semaphore, #tpu.memory_space<semaphore_mem>>
      %dma_start3A = arith.constant 0 : i32
      %dma_start3A_10 = arith.constant 0 : i32
      %dma_start3A_11 = tpu.memref_slice %arg4[%arg0, %arg1, %dma_start3A, %dma_start3A_10] : memref<2x16x97x128xi32, #tpu.memory_space<hbm>> -> memref<1x1x97x128xi32, #tpu.memory_space<hbm>>
      %dma_start3A_12 = tpu.memref_squeeze %dma_start3A_11 : memref<1x1x97x128xi32, #tpu.memory_space<hbm>> -> memref<97x128xi32, #tpu.memory_space<hbm>>
      %dma_start3A_13 = arith.constant 0 : i32
      %dma_start3A_14 = arith.constant 0 : i32
      %dma_start3A_15 = tpu.memref_slice %arg4[%arg0, %arg1, %dma_start3A_13, %dma_start3A_14] : memref<2x16x97x128xi32, #tpu.memory_space<hbm>> -> memref<1x1x97x128xi32, #tpu.memory_space<hbm>>
      %dma_start3A_16 = tpu.memref_squeeze %dma_start3A_15 : memref<1x1x97x128xi32, #tpu.memory_space<hbm>> -> memref<97x128xi32, #tpu.memory_space<hbm>>
      tpu.enqueue_dma source(%dma_start3A_16 : memref<97x128xi32, #tpu.memory_space<hbm>>) target(%arg8 : memref<97x128xi32, #tpu.memory_space<vmem>>) target_semaphore(%run_scoped3A : memref<!tpu.dma_semaphore, #tpu.memory_space<semaphore_mem>>)
      %dma_wait3A = arith.constant 0 : i32
      %dma_wait3A_17 = arith.constant 0 : i32
      %dma_wait3A_18 = tpu.memref_slice %arg4[%arg0, %arg1, %dma_wait3A, %dma_wait3A_17] : memref<2x16x97x128xi32, #tpu.memory_space<hbm>> -> memref<1x1x97x128xi32, #tpu.memory_space<hbm>>
      %dma_wait3A_19 = tpu.memref_squeeze %dma_wait3A_18 : memref<1x1x97x128xi32, #tpu.memory_space<hbm>> -> memref<97x128xi32, #tpu.memory_space<hbm>>
      %dma_wait3A_20 = arith.constant 0 : i32
      %dma_wait3A_21 = arith.constant 0 : i32
      %dma_wait3A_22 = tpu.memref_slice %arg4[%arg0, %arg1, %dma_wait3A_20, %dma_wait3A_21] : memref<2x16x97x128xi32, #tpu.memory_space<hbm>> -> memref<1x1x97x128xi32, #tpu.memory_space<hbm>>
      %dma_wait3A_23 = tpu.memref_squeeze %dma_wait3A_22 : memref<1x1x97x128xi32, #tpu.memory_space<hbm>> -> memref<97x128xi32, #tpu.memory_space<hbm>>
      tpu.wait_dma2 semaphore(%run_scoped3A : memref<!tpu.dma_semaphore, #tpu.memory_space<semaphore_mem>>) src(%dma_wait3A_23 : memref<97x128xi32, #tpu.memory_space<hbm>>) dst(%arg8 : memref<97x128xi32, #tpu.memory_space<vmem>>)
      tpu.yield
    }) : () -> ()
    %mul3A = arith.constant 640 : i32
    %mul3A_0 = arith.muli %arg1, %mul3A : i32
    "tpu.region"() ({
      %run_scoped3A = tpu.sem_alloc : memref<!tpu.dma_semaphore, #tpu.memory_space<semaphore_mem>>
      %dma_start3A = arith.constant 0 : i32
      %dma_start3A_10 = tpu.memref_slice %arg10[%mul3A_0, %dma_start3A] : memref<10240x128xf32, #tpu.memory_space<vmem_shared>> -> memref<640x128xf32, #tpu.memory_space<vmem_shared>>
      tpu.enqueue_dma source(%arg5 : memref<640x128xf32, #tpu.memory_space<hbm>>) target(%dma_start3A_10 : memref<640x128xf32, #tpu.memory_space<vmem_shared>>) target_semaphore(%run_scoped3A : memref<!tpu.dma_semaphore, #tpu.memory_space<semaphore_mem>>)
      %dma_wait3A = arith.constant 0 : i32
      %dma_wait3A_11 = tpu.memref_slice %arg10[%mul3A_0, %dma_wait3A] : memref<10240x128xf32, #tpu.memory_space<vmem_shared>> -> memref<640x128xf32, #tpu.memory_space<vmem_shared>>
      tpu.wait_dma2 semaphore(%run_scoped3A : memref<!tpu.dma_semaphore, #tpu.memory_space<semaphore_mem>>) src(%arg5 : memref<640x128xf32, #tpu.memory_space<hbm>>) dst(%dma_wait3A_11 : memref<640x128xf32, #tpu.memory_space<vmem_shared>>)
      tpu.yield
    }) : () -> ()
    %barrier3A = arith.constant 0 : index
    tpu.barrier barrier_id(%barrier3A)
    %eq3A = arith.constant 0 : i32
    %eq3A_1 = arith.cmpi eq, %arg0, %eq3A : i32
    %convert_element_type3A = arith.extui %eq3A_1 : i1 to i32
    %cond3A = arith.constant 0 : i32
    %cond3A_2 = arith.cmpi ne, %convert_element_type3A, %cond3A : i32
    scf.if %cond3A_2 {
      %scan3A = arith.constant 0 : i32
      %scan3A_10 = arith.constant 97 : i32
      %scan3A_11 = arith.addi %scan3A, %scan3A_10 : i32
      %scan3A_12 = arith.constant 1 : i32
      scf.for %scan3A_14 = %scan3A to %scan3A_11 step %scan3A_12  : i32 {
        %mul3A_15 = arith.constant 1 : i32
        %mul3A_16 = arith.muli %scan3A_14, %mul3A_15 : i32
        %add3A = arith.constant 0 : i32
        %add3A_17 = arith.addi %add3A, %mul3A_16 : i32
        %dma_start3A = arith.constant 0 : i32
        %dma_start3A_18 = tpu.memref_slice %arg7[%add3A_17, %dma_start3A] : memref<97x128xi32, #tpu.memory_space<vmem>> -> memref<1x128xi32, #tpu.memory_space<vmem>>
        %dma_start3A_19 = tpu.memref_squeeze %dma_start3A_18 : memref<1x128xi32, #tpu.memory_space<vmem>> -> memref<128xi32, #tpu.memory_space<vmem>>
        %dma_start3A_20 = arith.constant 0 : i32
        %dma_start3A_21 = arith.constant 0 : i32
        %dma_start3A_22 = tpu.memref_slice %arg2[%dma_start3A_20, %dma_start3A_21] : memref<10000x128xf32, #tpu.memory_space<hbm>> -> memref<10000x128xf32, #tpu.memory_space<hbm>>
        tpu.enqueue_indirect_dma source(%dma_start3A_22 : memref<10000x128xf32, #tpu.memory_space<hbm>>) target(%arg9 : memref<128x128xf32, #tpu.memory_space<vmem>>) offsets(%dma_start3A_19 : memref<128xi32, #tpu.memory_space<vmem>>) semaphore(%arg11 : memref<!tpu.dma_semaphore, #tpu.memory_space<semaphore_mem>>)
        %dma_wait3A = arith.constant 0 : i32
        %dma_wait3A_23 = tpu.memref_slice %arg7[%add3A_17, %dma_wait3A] : memref<97x128xi32, #tpu.memory_space<vmem>> -> memref<1x128xi32, #tpu.memory_space<vmem>>
        %dma_wait3A_24 = tpu.memref_squeeze %dma_wait3A_23 : memref<1x128xi32, #tpu.memory_space<vmem>> -> memref<128xi32, #tpu.memory_space<vmem>>
        %dma_wait3A_25 = arith.constant 0 : i32
        %dma_wait3A_26 = arith.constant 0 : i32
        %dma_wait3A_27 = tpu.memref_slice %arg2[%dma_wait3A_25, %dma_wait3A_26] : memref<10000x128xf32, #tpu.memory_space<hbm>> -> memref<10000x128xf32, #tpu.memory_space<hbm>>
        tpu.wait_indirect_dma semaphore(%arg11 : memref<!tpu.dma_semaphore, #tpu.memory_space<semaphore_mem>>) src(%dma_wait3A_27 : memref<10000x128xf32, #tpu.memory_space<hbm>>) dst(%arg9 : memref<128x128xf32, #tpu.memory_space<vmem>>)
        "tpu.region"() ({
          %run_scoped3A = tpu.sem_alloc : memref<!tpu.dma_semaphore, #tpu.memory_space<semaphore_mem>>
          %dma_start3A_28 = arith.constant 0 : i32
          %dma_start3A_29 = tpu.memref_slice %arg8[%add3A_17, %dma_start3A_28] : memref<97x128xi32, #tpu.memory_space<vmem>> -> memref<1x128xi32, #tpu.memory_space<vmem>>
          %dma_start3A_30 = tpu.memref_squeeze %dma_start3A_29 : memref<1x128xi32, #tpu.memory_space<vmem>> -> memref<128xi32, #tpu.memory_space<vmem>>
          %dma_start3A_31 = arith.constant 0 : i32
          %dma_start3A_32 = arith.constant 0 : i32
          %dma_start3A_33 = tpu.memref_slice %arg10[%dma_start3A_31, %dma_start3A_32] : memref<10240x128xf32, #tpu.memory_space<vmem_shared>> -> memref<10240x128xf32, #tpu.memory_space<vmem_shared>>
          tpu.enqueue_indirect_dma source(%arg9 : memref<128x128xf32, #tpu.memory_space<vmem>>) target(%dma_start3A_33 : memref<10240x128xf32, #tpu.memory_space<vmem_shared>>) offsets(%dma_start3A_30 : memref<128xi32, #tpu.memory_space<vmem>>) semaphore(%run_scoped3A : memref<!tpu.dma_semaphore, #tpu.memory_space<semaphore_mem>>) {add = true}
          %dma_wait3A_34 = arith.constant 0 : i32
          %dma_wait3A_35 = tpu.memref_slice %arg8[%add3A_17, %dma_wait3A_34] : memref<97x128xi32, #tpu.memory_space<vmem>> -> memref<1x128xi32, #tpu.memory_space<vmem>>
          %dma_wait3A_36 = tpu.memref_squeeze %dma_wait3A_35 : memref<1x128xi32, #tpu.memory_space<vmem>> -> memref<128xi32, #tpu.memory_space<vmem>>
          %dma_wait3A_37 = arith.constant 0 : i32
          %dma_wait3A_38 = arith.constant 0 : i32
          %dma_wait3A_39 = tpu.memref_slice %arg10[%dma_wait3A_37, %dma_wait3A_38] : memref<10240x128xf32, #tpu.memory_space<vmem_shared>> -> memref<10240x128xf32, #tpu.memory_space<vmem_shared>>
          tpu.wait_indirect_dma semaphore(%run_scoped3A : memref<!tpu.dma_semaphore, #tpu.memory_space<semaphore_mem>>) src(%arg9 : memref<128x128xf32, #tpu.memory_space<vmem>>) dst(%dma_wait3A_39 : memref<10240x128xf32, #tpu.memory_space<vmem_shared>>)
          tpu.yield
        }) : () -> ()
      }
      %scan3A_13 = arith.constant 97 : i32
    } else {
    }
    %ne3A = arith.constant 0 : i32
    %ne3A_3 = arith.cmpi ne, %arg0, %ne3A : i32
    %convert_element_type3A_4 = arith.extui %ne3A_3 : i1 to i32
    %cond3A_5 = arith.constant 0 : i32
    %cond3A_6 = arith.cmpi ne, %convert_element_type3A_4, %cond3A_5 : i32
    scf.if %cond3A_6 {
      %scan3A = arith.constant 0 : i32
      %scan3A_10 = arith.constant 60 : i32
      %scan3A_11 = arith.addi %scan3A, %scan3A_10 : i32
      %scan3A_12 = arith.constant 1 : i32
      scf.for %scan3A_14 = %scan3A to %scan3A_11 step %scan3A_12  : i32 {
        %mul3A_15 = arith.constant 1 : i32
        %mul3A_16 = arith.muli %scan3A_14, %mul3A_15 : i32
        %add3A = arith.constant 0 : i32
        %add3A_17 = arith.addi %add3A, %mul3A_16 : i32
        %dma_start3A = arith.constant 0 : i32
        %dma_start3A_18 = tpu.memref_slice %arg7[%add3A_17, %dma_start3A] : memref<97x128xi32, #tpu.memory_space<vmem>> -> memref<1x128xi32, #tpu.memory_space<vmem>>
        %dma_start3A_19 = tpu.memref_squeeze %dma_start3A_18 : memref<1x128xi32, #tpu.memory_space<vmem>> -> memref<128xi32, #tpu.memory_space<vmem>>
        %dma_start3A_20 = arith.constant 0 : i32
        %dma_start3A_21 = arith.constant 0 : i32
        %dma_start3A_22 = tpu.memref_slice %arg2[%dma_start3A_20, %dma_start3A_21] : memref<10000x128xf32, #tpu.memory_space<hbm>> -> memref<10000x128xf32, #tpu.memory_space<hbm>>
        tpu.enqueue_indirect_dma source(%dma_start3A_22 : memref<10000x128xf32, #tpu.memory_space<hbm>>) target(%arg9 : memref<128x128xf32, #tpu.memory_space<vmem>>) offsets(%dma_start3A_19 : memref<128xi32, #tpu.memory_space<vmem>>) semaphore(%arg11 : memref<!tpu.dma_semaphore, #tpu.memory_space<semaphore_mem>>)
        %dma_wait3A = arith.constant 0 : i32
        %dma_wait3A_23 = tpu.memref_slice %arg7[%add3A_17, %dma_wait3A] : memref<97x128xi32, #tpu.memory_space<vmem>> -> memref<1x128xi32, #tpu.memory_space<vmem>>
        %dma_wait3A_24 = tpu.memref_squeeze %dma_wait3A_23 : memref<1x128xi32, #tpu.memory_space<vmem>> -> memref<128xi32, #tpu.memory_space<vmem>>
        %dma_wait3A_25 = arith.constant 0 : i32
        %dma_wait3A_26 = arith.constant 0 : i32
        %dma_wait3A_27 = tpu.memref_slice %arg2[%dma_wait3A_25, %dma_wait3A_26] : memref<10000x128xf32, #tpu.memory_space<hbm>> -> memref<10000x128xf32, #tpu.memory_space<hbm>>
        tpu.wait_indirect_dma semaphore(%arg11 : memref<!tpu.dma_semaphore, #tpu.memory_space<semaphore_mem>>) src(%dma_wait3A_27 : memref<10000x128xf32, #tpu.memory_space<hbm>>) dst(%arg9 : memref<128x128xf32, #tpu.memory_space<vmem>>)
        "tpu.region"() ({
          %run_scoped3A = tpu.sem_alloc : memref<!tpu.dma_semaphore, #tpu.memory_space<semaphore_mem>>
          %dma_start3A_28 = arith.constant 0 : i32
          %dma_start3A_29 = tpu.memref_slice %arg8[%add3A_17, %dma_start3A_28] : memref<97x128xi32, #tpu.memory_space<vmem>> -> memref<1x128xi32, #tpu.memory_space<vmem>>
          %dma_start3A_30 = tpu.memref_squeeze %dma_start3A_29 : memref<1x128xi32, #tpu.memory_space<vmem>> -> memref<128xi32, #tpu.memory_space<vmem>>
          %dma_start3A_31 = arith.constant 0 : i32
          %dma_start3A_32 = arith.constant 0 : i32
          %dma_start3A_33 = tpu.memref_slice %arg10[%dma_start3A_31, %dma_start3A_32] : memref<10240x128xf32, #tpu.memory_space<vmem_shared>> -> memref<10240x128xf32, #tpu.memory_space<vmem_shared>>
          tpu.enqueue_indirect_dma source(%arg9 : memref<128x128xf32, #tpu.memory_space<vmem>>) target(%dma_start3A_33 : memref<10240x128xf32, #tpu.memory_space<vmem_shared>>) offsets(%dma_start3A_30 : memref<128xi32, #tpu.memory_space<vmem>>) semaphore(%run_scoped3A : memref<!tpu.dma_semaphore, #tpu.memory_space<semaphore_mem>>) {add = true}
          %dma_wait3A_34 = arith.constant 0 : i32
          %dma_wait3A_35 = tpu.memref_slice %arg8[%add3A_17, %dma_wait3A_34] : memref<97x128xi32, #tpu.memory_space<vmem>> -> memref<1x128xi32, #tpu.memory_space<vmem>>
          %dma_wait3A_36 = tpu.memref_squeeze %dma_wait3A_35 : memref<1x128xi32, #tpu.memory_space<vmem>> -> memref<128xi32, #tpu.memory_space<vmem>>
          %dma_wait3A_37 = arith.constant 0 : i32
          %dma_wait3A_38 = arith.constant 0 : i32
          %dma_wait3A_39 = tpu.memref_slice %arg10[%dma_wait3A_37, %dma_wait3A_38] : memref<10240x128xf32, #tpu.memory_space<vmem_shared>> -> memref<10240x128xf32, #tpu.memory_space<vmem_shared>>
          tpu.wait_indirect_dma semaphore(%run_scoped3A : memref<!tpu.dma_semaphore, #tpu.memory_space<semaphore_mem>>) src(%arg9 : memref<128x128xf32, #tpu.memory_space<vmem>>) dst(%dma_wait3A_39 : memref<10240x128xf32, #tpu.memory_space<vmem_shared>>)
          tpu.yield
        }) : () -> ()
      }
      %scan3A_13 = arith.constant 60 : i32
    } else {
    }
    %barrier3A_7 = arith.constant 0 : index
    tpu.barrier barrier_id(%barrier3A_7)
    %mul3A_8 = arith.constant 640 : i32
    %mul3A_9 = arith.muli %arg1, %mul3A_8 : i32
    "tpu.region"() ({
      %run_scoped3A = tpu.sem_alloc : memref<!tpu.dma_semaphore, #tpu.memory_space<semaphore_mem>>
      %dma_start3A = arith.constant 0 : i32
      %dma_start3A_10 = tpu.memref_slice %arg6[%arg0, %mul3A_9, %dma_start3A] : memref<2x10240x128xf32, #tpu.memory_space<hbm>> -> memref<1x640x128xf32, #tpu.memory_space<hbm>>
      %dma_start3A_11 = tpu.memref_squeeze %dma_start3A_10 : memref<1x640x128xf32, #tpu.memory_space<hbm>> -> memref<640x128xf32, #tpu.memory_space<hbm>>
      %dma_start3A_12 = arith.constant 0 : i32
      %dma_start3A_13 = tpu.memref_slice %arg10[%mul3A_9, %dma_start3A_12] : memref<10240x128xf32, #tpu.memory_space<vmem_shared>> -> memref<640x128xf32, #tpu.memory_space<vmem_shared>>
      tpu.enqueue_dma source(%dma_start3A_13 : memref<640x128xf32, #tpu.memory_space<vmem_shared>>) target(%dma_start3A_11 : memref<640x128xf32, #tpu.memory_space<hbm>>) target_semaphore(%run_scoped3A : memref<!tpu.dma_semaphore, #tpu.memory_space<semaphore_mem>>)
      %dma_wait3A = arith.constant 0 : i32
      %dma_wait3A_14 = tpu.memref_slice %arg6[%arg0, %mul3A_9, %dma_wait3A] : memref<2x10240x128xf32, #tpu.memory_space<hbm>> -> memref<1x640x128xf32, #tpu.memory_space<hbm>>
      %dma_wait3A_15 = tpu.memref_squeeze %dma_wait3A_14 : memref<1x640x128xf32, #tpu.memory_space<hbm>> -> memref<640x128xf32, #tpu.memory_space<hbm>>
      %dma_wait3A_16 = arith.constant 0 : i32
      %dma_wait3A_17 = tpu.memref_slice %arg10[%mul3A_9, %dma_wait3A_16] : memref<10240x128xf32, #tpu.memory_space<vmem_shared>> -> memref<640x128xf32, #tpu.memory_space<vmem_shared>>
      tpu.wait_dma2 semaphore(%run_scoped3A : memref<!tpu.dma_semaphore, #tpu.memory_space<semaphore_mem>>) src(%dma_wait3A_17 : memref<640x128xf32, #tpu.memory_space<vmem_shared>>) dst(%dma_wait3A_15 : memref<640x128xf32, #tpu.memory_space<hbm>>)
      tpu.yield
    }) : () -> ()
    return
  }
}

module attributes {stable_mosaic.version = 14 : i64} {
  func.func @_mm1_kern(%arg0: i32, %arg1: memref<1000x128xf32, #tpu.memory_space<vmem>>, %arg2: memref<128x128xf32, #tpu.memory_space<vmem>>, %arg3: memref<1000x128xf32, #tpu.memory_space<vmem>>) attributes {dimension_semantics = [#tpu.dimension_semantics<arbitrary>], iteration_bounds = array<i64: 10>, scalar_prefetch = 0 : i64, scratch_operands = 0 : i64, tpu.core_type = #tpu.core_type<tc>, window_params = [{transform_indices = @transform_0, window_bounds = array<i64: 1000, 128>}, {pipeline_mode = #tpu.pipeline_mode<synchronous>, transform_indices = @transform_1, window_bounds = array<i64: 128, 128>}, {transform_indices = @transform_2, window_bounds = array<i64: 1000, 128>}]} {
    %get3A = arith.constant 0 : index
    %get3A_0 = arith.constant 0 : index
    %get3A_1 = vector.load %arg1[%get3A, %get3A_0] : memref<1000x128xf32, #tpu.memory_space<vmem>>, vector<1000x128xf32>
    %get3A_2 = arith.constant 0 : index
    %get3A_3 = arith.constant 0 : index
    %get3A_4 = vector.load %arg2[%get3A_2, %get3A_3] : memref<128x128xf32, #tpu.memory_space<vmem>>, vector<128x128xf32>
    %dot_general3A = arith.constant dense<0.000000e+00> : vector<1000x128xf32>
    %dot_general3A_5 = tpu.matmul %get3A_1, %get3A_4, %dot_general3A {dimension_numbers = #tpu.dot_dimension_numbers<[1], [0], [0], [1], [0, 0, 1, 1], [], []>, precision = #tpu.contract_precision<fp32>, transpose_lhs_hint = false} : vector<1000x128xf32>, vector<128x128xf32>, vector<1000x128xf32> -> vector<1000x128xf32>
    %swap3A = arith.constant 0 : index
    %swap3A_6 = arith.constant 0 : index
    %swap3A_7 = vector.load %arg3[%swap3A, %swap3A_6] : memref<1000x128xf32, #tpu.memory_space<vmem>>, vector<1000x128xf32>
    tpu.vector_store %arg3[%swap3A, %swap3A_6], %dot_general3A_5 {strides = array<i32>} : memref<1000x128xf32, #tpu.memory_space<vmem>>, vector<1000x128xf32>,
    return
  }
  func.func @transform_0(%arg0: i32) -> (i32, i32) {
    %c0_i32 = arith.constant 0 : i32
    %c0_i32_0 = arith.constant 0 : i32
    return %arg0, %c0_i32 : i32, i32
  }
  func.func @transform_1(%arg0: i32) -> (i32, i32) {
    %c0_i32 = arith.constant 0 : i32
    %c0_i32_0 = arith.constant 0 : i32
    %c0_i32_1 = arith.constant 0 : i32
    return %c0_i32, %c0_i32_0 : i32, i32
  }
  func.func @transform_2(%arg0: i32) -> (i32, i32) {
    %c0_i32 = arith.constant 0 : i32
    %c0_i32_0 = arith.constant 0 : i32
    return %arg0, %c0_i32 : i32, i32
  }
}

module attributes {stable_mosaic.version = 14 : i64} {
  func.func @_dinv_scale_kern(%arg0: i32, %arg1: memref<1000x1xf32, #tpu.memory_space<vmem>>, %arg2: memref<1000x128xf32, #tpu.memory_space<vmem>>, %arg3: memref<1000x1xf32, #tpu.memory_space<vmem>>, %arg4: memref<1000x128xf32, #tpu.memory_space<vmem>>) attributes {dimension_semantics = [#tpu.dimension_semantics<arbitrary>], iteration_bounds = array<i64: 10>, scalar_prefetch = 0 : i64, scratch_operands = 0 : i64, tpu.core_type = #tpu.core_type<tc>, window_params = [{transform_indices = @transform_0, window_bounds = array<i64: 1000, 1>}, {transform_indices = @transform_1, window_bounds = array<i64: 1000, 128>}, {transform_indices = @transform_2, window_bounds = array<i64: 1000, 1>}, {transform_indices = @transform_3, window_bounds = array<i64: 1000, 128>}]} {
    %get3A = arith.constant 0 : index
    %get3A_0 = arith.constant 0 : index
    %get3A_1 = vector.load %arg1[%get3A, %get3A_0] : memref<1000x1xf32, #tpu.memory_space<vmem>>, vector<1000x1xf32>
    %add3A = arith.constant 1.000000e+00 : f32
    %add3A_2 = vector.broadcast %add3A : f32 to vector<1000x1xf32>
    %add3A_3 = arith.addf %get3A_1, %add3A_2 : vector<1000x1xf32>
    %rsqrt3A = math.rsqrt %add3A_3 : vector<1000x1xf32>
    %swap3A = arith.constant 0 : index
    %swap3A_4 = arith.constant 0 : index
    %swap3A_5 = vector.load %arg3[%swap3A, %swap3A_4] : memref<1000x1xf32, #tpu.memory_space<vmem>>, vector<1000x1xf32>
    tpu.vector_store %arg3[%swap3A, %swap3A_4], %rsqrt3A {strides = array<i32>} : memref<1000x1xf32, #tpu.memory_space<vmem>>, vector<1000x1xf32>,
    %get3A_6 = arith.constant 0 : index
    %get3A_7 = arith.constant 0 : index
    %get3A_8 = vector.load %arg2[%get3A_6, %get3A_7] : memref<1000x128xf32, #tpu.memory_space<vmem>>, vector<1000x128xf32>
    %mul3A = vector.broadcast %rsqrt3A : vector<1000x1xf32> to vector<1000x128xf32>
    %mul3A_9 = arith.mulf %mul3A, %get3A_8 : vector<1000x128xf32>
    %swap3A_10 = arith.constant 0 : index
    %swap3A_11 = arith.constant 0 : index
    %swap3A_12 = vector.load %arg4[%swap3A_10, %swap3A_11] : memref<1000x128xf32, #tpu.memory_space<vmem>>, vector<1000x128xf32>
    tpu.vector_store %arg4[%swap3A_10, %swap3A_11], %mul3A_9 {strides = array<i32>} : memref<1000x128xf32, #tpu.memory_space<vmem>>, vector<1000x128xf32>,
    return
  }
  func.func @transform_0(%arg0: i32) -> (i32, i32) {
    %c0_i32 = arith.constant 0 : i32
    %c0_i32_0 = arith.constant 0 : i32
    return %arg0, %c0_i32 : i32, i32
  }
  func.func @transform_1(%arg0: i32) -> (i32, i32) {
    %c0_i32 = arith.constant 0 : i32
    %c0_i32_0 = arith.constant 0 : i32
    return %arg0, %c0_i32 : i32, i32
  }
  func.func @transform_2(%arg0: i32) -> (i32, i32) {
    %c0_i32 = arith.constant 0 : i32
    %c0_i32_0 = arith.constant 0 : i32
    return %arg0, %c0_i32 : i32, i32
  }
  func.func @transform_3(%arg0: i32) -> (i32, i32) {
    %c0_i32 = arith.constant 0 : i32
    %c0_i32_0 = arith.constant 0 : i32
    return %arg0, %c0_i32 : i32, i32
  }
}

module attributes {stable_mosaic.version = 14 : i64} {
  func.func @_layer1_kern(%arg0: i32, %arg1: memref<1000x128xf32, #tpu.memory_space<vmem>>, %arg2: memref<1000x128xf32, #tpu.memory_space<vmem>>, %arg3: memref<1000x128xf32, #tpu.memory_space<vmem>>, %arg4: memref<1000x1xf32, #tpu.memory_space<vmem>>, %arg5: memref<1x128xf32, #tpu.memory_space<vmem>>, %arg6: memref<128x64xf32, #tpu.memory_space<vmem>>, %arg7: memref<1000x64xf32, #tpu.memory_space<vmem>>, %arg8: memref<1000x128xf32, #tpu.memory_space<vmem>>) attributes {dimension_semantics = [#tpu.dimension_semantics<arbitrary>], iteration_bounds = array<i64: 10>, scalar_prefetch = 0 : i64, scratch_operands = 0 : i64, tpu.core_type = #tpu.core_type<tc>, window_params = [{transform_indices = @transform_0, window_bounds = array<i64: 1000, 128>}, {transform_indices = @transform_1, window_bounds = array<i64: 1000, 128>}, {transform_indices = @transform_2, window_bounds = array<i64: 1000, 128>}, {transform_indices = @transform_3, window_bounds = array<i64: 1000, 1>}, {pipeline_mode = #tpu.pipeline_mode<synchronous>, transform_indices = @transform_4, window_bounds = array<i64: 1, 128>}, {pipeline_mode = #tpu.pipeline_mode<synchronous>, transform_indices = @transform_5, window_bounds = array<i64: 128, 64>}, {transform_indices = @transform_6, window_bounds = array<i64: 1000, 64>}, {transform_indices = @transform_7, window_bounds = array<i64: 1000, 128>}]} {
    %get3A = arith.constant 0 : index
    %get3A_0 = arith.constant 0 : index
    %get3A_1 = vector.load %arg4[%get3A, %get3A_0] : memref<1000x1xf32, #tpu.memory_space<vmem>>, vector<1000x1xf32>
    %get3A_2 = arith.constant 0 : index
    %get3A_3 = arith.constant 0 : index
    %get3A_4 = vector.load %arg1[%get3A_2, %get3A_3] : memref<1000x128xf32, #tpu.memory_space<vmem>>, vector<1000x128xf32>
    %get3A_5 = arith.constant 0 : index
    %get3A_6 = arith.constant 0 : index
    %get3A_7 = vector.load %arg2[%get3A_5, %get3A_6] : memref<1000x128xf32, #tpu.memory_space<vmem>>, vector<1000x128xf32>
    %add3A = arith.addf %get3A_4, %get3A_7 : vector<1000x128xf32>
    %mul3A = vector.broadcast %get3A_1 : vector<1000x1xf32> to vector<1000x128xf32>
    %mul3A_8 = arith.mulf %mul3A, %add3A : vector<1000x128xf32>
    %mul3A_9 = arith.mulf %get3A_1, %get3A_1 : vector<1000x1xf32>
    %get3A_10 = arith.constant 0 : index
    %get3A_11 = arith.constant 0 : index
    %get3A_12 = vector.load %arg3[%get3A_10, %get3A_11] : memref<1000x128xf32, #tpu.memory_space<vmem>>, vector<1000x128xf32>
    %mul3A_13 = vector.broadcast %mul3A_9 : vector<1000x1xf32> to vector<1000x128xf32>
    %mul3A_14 = arith.mulf %mul3A_13, %get3A_12 : vector<1000x128xf32>
    %add3A_15 = arith.addf %mul3A_8, %mul3A_14 : vector<1000x128xf32>
    %get3A_16 = arith.constant 0 : index
    %get3A_17 = arith.constant 0 : index
    %get3A_18 = vector.load %arg5[%get3A_16, %get3A_17] : memref<1x128xf32, #tpu.memory_space<vmem>>, vector<1x128xf32>
    %add3A_19 = vector.broadcast %get3A_18 : vector<1x128xf32> to vector<1000x128xf32>
    %add3A_20 = arith.addf %add3A_15, %add3A_19 : vector<1000x128xf32>
    %max3A = arith.constant 0.000000e+00 : f32
    %max3A_21 = vector.broadcast %max3A : f32 to vector<1000x128xf32>
    %max3A_22 = arith.maximumf %add3A_20, %max3A_21 : vector<1000x128xf32>
    %get3A_23 = arith.constant 0 : index
    %get3A_24 = arith.constant 0 : index
    %get3A_25 = vector.load %arg6[%get3A_23, %get3A_24] : memref<128x64xf32, #tpu.memory_space<vmem>>, vector<128x64xf32>
    %dot_general3A = arith.constant dense<0.000000e+00> : vector<1000x64xf32>
    %dot_general3A_26 = tpu.matmul %max3A_22, %get3A_25, %dot_general3A {dimension_numbers = #tpu.dot_dimension_numbers<[1], [0], [0], [1], [0, 0, 1, 1], [], []>, precision = #tpu.contract_precision<fp32>, transpose_lhs_hint = false} : vector<1000x128xf32>, vector<128x64xf32>, vector<1000x64xf32> -> vector<1000x64xf32>
    %swap3A = arith.constant 0 : index
    %swap3A_27 = arith.constant 0 : index
    %swap3A_28 = vector.load %arg7[%swap3A, %swap3A_27] : memref<1000x64xf32, #tpu.memory_space<vmem>>, vector<1000x64xf32>
    tpu.vector_store %arg7[%swap3A, %swap3A_27], %dot_general3A_26 {strides = array<i32>} : memref<1000x64xf32, #tpu.memory_space<vmem>>, vector<1000x64xf32>,
    %mul3A_29 = vector.broadcast %get3A_1 : vector<1000x1xf32> to vector<1000x64xf32>
    %mul3A_30 = arith.mulf %mul3A_29, %dot_general3A_26 : vector<1000x64xf32>
    %broadcast_in_dim3A = arith.constant 0.000000e+00 : f32
    %broadcast_in_dim3A_31 = vector.broadcast %broadcast_in_dim3A : f32 to vector<1000x64xf32>
    %concatenate3A = tpu.concatenate %mul3A_30, %broadcast_in_dim3A_31 in 1 : vector<1000x64xf32>, vector<1000x64xf32> -> vector<1000x128xf32>
    %swap3A_32 = arith.constant 0 : index
    %swap3A_33 = arith.constant 0 : index
    %swap3A_34 = vector.load %arg8[%swap3A_32, %swap3A_33] : memref<1000x128xf32, #tpu.memory_space<vmem>>, vector<1000x128xf32>
    tpu.vector_store %arg8[%swap3A_32, %swap3A_33], %concatenate3A {strides = array<i32>} : memref<1000x128xf32, #tpu.memory_space<vmem>>, vector<1000x128xf32>,
    return
  }
  func.func @transform_0(%arg0: i32) -> (i32, i32) {
    %c0_i32 = arith.constant 0 : i32
    %c0_i32_0 = arith.constant 0 : i32
    return %arg0, %c0_i32 : i32, i32
  }
  func.func @transform_1(%arg0: i32) -> (i32, i32) {
    %c0_i32 = arith.constant 0 : i32
    %c0_i32_0 = arith.constant 0 : i32
    return %arg0, %c0_i32 : i32, i32
  }
  func.func @transform_2(%arg0: i32) -> (i32, i32) {
    %c0_i32 = arith.constant 0 : i32
    %c0_i32_0 = arith.constant 0 : i32
    return %arg0, %c0_i32 : i32, i32
  }
  func.func @transform_3(%arg0: i32) -> (i32, i32) {
    %c0_i32 = arith.constant 0 : i32
    %c0_i32_0 = arith.constant 0 : i32
    return %arg0, %c0_i32 : i32, i32
  }
  func.func @transform_4(%arg0: i32) -> (i32, i32) {
    %c0_i32 = arith.constant 0 : i32
    %c0_i32_0 = arith.constant 0 : i32
    %c0_i32_1 = arith.constant 0 : i32
    return %c0_i32, %c0_i32_0 : i32, i32
  }
  func.func @transform_5(%arg0: i32) -> (i32, i32) {
    %c0_i32 = arith.constant 0 : i32
    %c0_i32_0 = arith.constant 0 : i32
    %c0_i32_1 = arith.constant 0 : i32
    return %c0_i32, %c0_i32_0 : i32, i32
  }
  func.func @transform_6(%arg0: i32) -> (i32, i32) {
    %c0_i32 = arith.constant 0 : i32
    %c0_i32_0 = arith.constant 0 : i32
    return %arg0, %c0_i32 : i32, i32
  }
  func.func @transform_7(%arg0: i32) -> (i32, i32) {
    %c0_i32 = arith.constant 0 : i32
    %c0_i32_0 = arith.constant 0 : i32
    return %arg0, %c0_i32 : i32, i32
  }
}

module attributes {stable_mosaic.version = 14 : i64} {
  func.func @_final_kern(%arg0: i32, %arg1: memref<1000x64xf32, #tpu.memory_space<vmem>>, %arg2: memref<1000x64xf32, #tpu.memory_space<vmem>>, %arg3: memref<1000x64xf32, #tpu.memory_space<vmem>>, %arg4: memref<1000x1xf32, #tpu.memory_space<vmem>>, %arg5: memref<1x64xf32, #tpu.memory_space<vmem>>, %arg6: memref<1000x64xf32, #tpu.memory_space<vmem>>) attributes {dimension_semantics = [#tpu.dimension_semantics<arbitrary>], iteration_bounds = array<i64: 10>, scalar_prefetch = 0 : i64, scratch_operands = 0 : i64, tpu.core_type = #tpu.core_type<tc>, window_params = [{transform_indices = @transform_0, window_bounds = array<i64: 1000, 64>}, {transform_indices = @transform_1, window_bounds = array<i64: 1000, 64>}, {transform_indices = @transform_2, window_bounds = array<i64: 1000, 64>}, {transform_indices = @transform_3, window_bounds = array<i64: 1000, 1>}, {pipeline_mode = #tpu.pipeline_mode<synchronous>, transform_indices = @transform_4, window_bounds = array<i64: 1, 64>}, {transform_indices = @transform_5, window_bounds = array<i64: 1000, 64>}]} {
    %get3A = arith.constant 0 : index
    %get3A_0 = arith.constant 0 : index
    %get3A_1 = vector.load %arg4[%get3A, %get3A_0] : memref<1000x1xf32, #tpu.memory_space<vmem>>, vector<1000x1xf32>
    %get3A_2 = arith.constant 0 : index
    %get3A_3 = arith.constant 0 : index
    %get3A_4 = vector.load %arg1[%get3A_2, %get3A_3] : memref<1000x64xf32, #tpu.memory_space<vmem>>, vector<1000x64xf32>
    %get3A_5 = arith.constant 0 : index
    %get3A_6 = arith.constant 0 : index
    %get3A_7 = vector.load %arg2[%get3A_5, %get3A_6] : memref<1000x64xf32, #tpu.memory_space<vmem>>, vector<1000x64xf32>
    %add3A = arith.addf %get3A_4, %get3A_7 : vector<1000x64xf32>
    %mul3A = vector.broadcast %get3A_1 : vector<1000x1xf32> to vector<1000x64xf32>
    %mul3A_8 = arith.mulf %mul3A, %add3A : vector<1000x64xf32>
    %mul3A_9 = arith.mulf %get3A_1, %get3A_1 : vector<1000x1xf32>
    %get3A_10 = arith.constant 0 : index
    %get3A_11 = arith.constant 0 : index
    %get3A_12 = vector.load %arg3[%get3A_10, %get3A_11] : memref<1000x64xf32, #tpu.memory_space<vmem>>, vector<1000x64xf32>
    %mul3A_13 = vector.broadcast %mul3A_9 : vector<1000x1xf32> to vector<1000x64xf32>
    %mul3A_14 = arith.mulf %mul3A_13, %get3A_12 : vector<1000x64xf32>
    %add3A_15 = arith.addf %mul3A_8, %mul3A_14 : vector<1000x64xf32>
    %get3A_16 = arith.constant 0 : index
    %get3A_17 = arith.constant 0 : index
    %get3A_18 = vector.load %arg5[%get3A_16, %get3A_17] : memref<1x64xf32, #tpu.memory_space<vmem>>, vector<1x64xf32>
    %add3A_19 = vector.broadcast %get3A_18 : vector<1x64xf32> to vector<1000x64xf32>
    %add3A_20 = arith.addf %add3A_15, %add3A_19 : vector<1000x64xf32>
    %swap3A = arith.constant 0 : index
    %swap3A_21 = arith.constant 0 : index
    %swap3A_22 = vector.load %arg6[%swap3A, %swap3A_21] : memref<1000x64xf32, #tpu.memory_space<vmem>>, vector<1000x64xf32>
    tpu.vector_store %arg6[%swap3A, %swap3A_21], %add3A_20 {strides = array<i32>} : memref<1000x64xf32, #tpu.memory_space<vmem>>, vector<1000x64xf32>,
    return
  }
  func.func @transform_0(%arg0: i32) -> (i32, i32) {
    %c0_i32 = arith.constant 0 : i32
    %c0_i32_0 = arith.constant 0 : i32
    return %arg0, %c0_i32 : i32, i32
  }
  func.func @transform_1(%arg0: i32) -> (i32, i32) {
    %c0_i32 = arith.constant 0 : i32
    %c0_i32_0 = arith.constant 0 : i32
    return %arg0, %c0_i32 : i32, i32
  }
  func.func @transform_2(%arg0: i32) -> (i32, i32) {
    %c0_i32 = arith.constant 0 : i32
    %c0_i32_0 = arith.constant 0 : i32
    return %arg0, %c0_i32 : i32, i32
  }
  func.func @transform_3(%arg0: i32) -> (i32, i32) {
    %c0_i32 = arith.constant 0 : i32
    %c0_i32_0 = arith.constant 0 : i32
    return %arg0, %c0_i32 : i32, i32
  }
  func.func @transform_4(%arg0: i32) -> (i32, i32) {
    %c0_i32 = arith.constant 0 : i32
    %c0_i32_0 = arith.constant 0 : i32
    %c0_i32_1 = arith.constant 0 : i32
    return %c0_i32, %c0_i32_0 : i32, i32
  }
  func.func @transform_5(%arg0: i32) -> (i32, i32) {
    %c0_i32 = arith.constant 0 : i32
    %c0_i32_0 = arith.constant 0 : i32
    return %arg0, %c0_i32 : i32, i32
  }
}

</mosaic_0001>

<sc_bundles>
// kernel: kernel.12.cloned.1.call-start
scs
__scs_entry_jumppad:
0x0: {  	(pc) =	sbr.rel $0x88, $3  }
0x1: {  	(tag) =	ssettag $0x0;
	lr =	simm.s32 $0x1  }
0x2: {  	[smem:$0x3F9B] =	sst lr;
	_ =	strace $0xD0000000  }
0x3: {  	_ = 	snop  }
0x4: {  	_ = 	snop  }
0x5: {  	_ = 	snop  }
0x6: {  	_ = 	snop  }
0x7: {  	_ = 	snop  }
__scs_overlays_trampoline_lowered:
0x8: {  	[smem:$0x3FAA] =	sst s0  }
0x9: {  	[smem:$0x3FAB] =	sst s1  }
0xa: {  	[smem:$0x3FAC] =	sst s2  }
0xb: {  	[smem:$0x3FAD] =	sst s3  }
0xc: {  	[smem:$0x3FAE] =	sst s4  }
0xd: {  	[smem:$0x3FAF] =	sst s5  }
0xe: {  	[smem:$0x3FB0] =	sst s6  }
0xf: {  	[smem:$0x3FB1] =	sst s7  }
0x10: {  	[smem:$0x3FB2] =	sst s8  }
0x11: {  	[smem:$0x3FB3] =	sst s9;
	s0 =	simm.s32 @!p0 $0x0  }
0x12: {  	s1 =	sld [smem:$0x3F99];
	s0 =	simm.s32 @p0 $0x1  }
0x13: {  	[smem:$0x3FB4] =	sst s0;
	s0 =	simm.s32 @!p1 $0x0  }
0x14: {  	s2 =	sld [smem:$0x3F98];
	s0 =	simm.s32 @p1 $0x1  }
0x15: {  	[smem:$0x3FB5] =	sst s0;
	s0 =	simm.s32 @!p2 $0x0  }
0x16: {  	s3 =	sld [smem:$0x3FDB];
	s0 =	simm.s32 @p2 $0x1  }
0x17: {  	s4 =	simm.s32 $0x1BF5;
	[smem:$0x3FB7] =	sst s0  }
0x18: {  	s0 =	sld [smem:$0x3F9A];
	_ =	swait.ge [sflag:s4], $0x0  }
0x19: {  	s7 =	sld [smem:$0x3F9B]  }
0x1a: {  	s8 =	sadd.s32 $0xFFFFE003, lr  }
0x1b: {  	s9 =	sadd.s32 $0xFFFFFEF7, lr;
	s5 =	simm.s32 $0xFFFFFFFF;
	p2 =	slt.u32 s8, $0xFFFFF086  }
0x1c: {  	p1 =	slt.u32 s9, $0xF7A;
	s5 =	simm.s32 @!p2 $0x0  }
0x1d: {  	s5 =	simm.s32 @p1 $0x1;
	p0 =	seq.s32 s7, s2  }
0x1e: {  	s7 =	smul.u32 @!p0 $0xF7A, s2;
	p2 =	seq.s32 @!p0 s5, $0x0  }
0x1f: {  	s9 =	smul.u32 $0xF7A, s1;
	s8 =	simm.s32 @!p0 $0x1BF5;
	p2 =	por !p2, p0  }
0x20: {  	[sflag:s8] =	ssyncset.s32 @!p0 $0xFFFFF086;
	s6 =	sadd.s32 @!p0 s3, s7;
	s7 =	simm.s32 @!p0 $0x108  }
0x21: {  	s3 =	sadd.s32 s3, s9;
	s6 =	sadd.s32 @!p0 $0x88, s6;
	s7 =	simm.s32 @p2 $0x1082  }
0x22: {  	[simem:s7], [sflag:s8] =	dma.local @!p0 [hbm:s6], $0xF7A  }
0x23: {  	s9 =	sor.u32 $0xD0000000, s2;
	s6 =	simm.s32 $0x108;
	_ =	swait.ge @!p0 [sflag:s8], $0x0  }
0x24: {  	s3 =	sadd.s32 $0x88, s3;
	s6 =	simm.s32 @!p1 $0x1082;
	[sflag:s4] =	ssyncset.s32 $0xFFFFF086  }
0x25: {  	[simem:s6], [sflag:s4] =	dma.local [hbm:s3], $0xF7A  }
0x26: {  	[smem:$0x3F9B] =	sst s1;
	(tag) =	ssettag s2;
	_ =	strace s9  }
0x27: {  	s1 =	sld [smem:$0x3FAB]  }
0x28: {  	s2 =	sld [smem:$0x3FAC]  }
0x29: {  	s4 =	sld [smem:$0x3FAE]  }
0x2a: {  	p0 =	seq.s32 s5, $0x0;
	s5 =	sld [smem:$0x3FAF]  }
0x2b: {  	s6 =	sld [smem:$0x3FB0]  }
0x2c: {  	s7 =	sld [smem:$0x3FB1]  }
0x2d: {  	s3 =	simm.s32 $0x108;
	s8 =	sld [smem:$0x3FB2]  }
0x2e: {  	s3 =	simm.s32 @!p0 $0x1082;
	s9 =	sld [smem:$0x3FB3]  }
0x2f: {  	lr =	sadd.s32 s0, s3;
	s0 =	sld [smem:$0x3FAA]  }
0x30: {  	s3 =	sld [smem:$0x3FAD]  }
0x31: {  	[smem:$0x3FB6] =	sst s10  }
0x32: {  	s10 =	sld [smem:$0x3FB4];
	_ =	sdelay $0x3  }
0x33: {  	p0 =	seq.s32 s10, $0x1;
	s10 =	sld [smem:$0x3FB6];
	_ =	sdelay $0x3  }
0x34: {  	[smem:$0x3FB6] =	sst s10  }
0x35: {  	s10 =	sld [smem:$0x3FB5];
	_ =	sdelay $0x3  }
0x36: {  	p1 =	seq.s32 s10, $0x1;
	s10 =	sld [smem:$0x3FB6];
	_ =	sdelay $0x3  }
0x37: {  	[smem:$0x3FB6] =	sst s10  }
0x38: {  	s10 =	sld [smem:$0x3FB7]  }
0x39: {  	_ = 	snop;
	(pc) =	sbr.ind lr, $3  }
0x3a: {  	_ = 	snop  }
0x3b: {  	_ = 	snop  }
0x3c: {  	p2 =	seq.s32 s10, $0x1;
	s10 =	sld [smem:$0x3FB6]  }
0x3d: {  	_ =	shalt  }
0x3e: {  	_ =	shalt  }
0x3f: {  	_ =	shalt  }
0x40: {  	_ =	shalt  }
0x41: {  	_ =	shalt  }
0x42: {  	_ =	shalt  }
0x43: {  	_ =	shalt  }
0x44: {  	_ =	shalt  }
0x45: {  	_ =	shalt  }
0x46: {  	_ =	shalt  }
0x47: {  	_ =	shalt  }
0x48: {  	_ =	shalt  }
0x49: {  	_ =	shalt  }
0x4a: {  	_ =	shalt  }
0x4b: {  	_ =	shalt  }
0x4c: {  	_ =	shalt  }
0x4d: {  	_ =	shalt  }
0x4e: {  	_ =	shalt  }
0x4f: {  	_ =	shalt  }
0x50: {  	_ =	shalt  }
0x51: {  	_ =	shalt  }
0x52: {  	_ =	shalt  }
0x53: {  	_ =	shalt  }
0x54: {  	_ =	shalt  }
0x55: {  	_ =	shalt  }
0x56: {  	_ =	shalt  }
0x57: {  	_ =	shalt  }
0x58: {  	_ =	shalt  }
0x59: {  	_ =	shalt  }
0x5a: {  	_ =	shalt  }
0x5b: {  	_ =	shalt  }
0x5c: {  	_ =	shalt  }
0x5d: {  	_ =	shalt  }
0x5e: {  	_ =	shalt  }
0x5f: {  	_ =	shalt  }
0x60: {  	_ =	shalt  }
0x61: {  	_ =	shalt  }
0x62: {  	_ =	shalt  }
0x63: {  	_ =	shalt  }
0x64: {  	_ =	shalt  }
0x65: {  	_ =	shalt  }
0x66: {  	_ =	shalt  }
0x67: {  	_ =	shalt  }
0x68: {  	_ =	shalt  }
0x69: {  	_ =	shalt  }
0x6a: {  	_ =	shalt  }
0x6b: {  	_ =	shalt  }
0x6c: {  	_ =	shalt  }
0x6d: {  	_ =	shalt  }
0x6e: {  	_ =	shalt  }
0x6f: {  	_ =	shalt  }
0x70: {  	_ =	shalt  }
0x71: {  	_ =	shalt  }
0x72: {  	_ =	shalt  }
0x73: {  	_ =	shalt  }
0x74: {  	_ =	shalt  }
0x75: {  	_ =	shalt  }
0x76: {  	_ =	shalt  }
0x77: {  	_ =	shalt  }
0x78: {  	_ =	shalt  }
0x79: {  	_ =	shalt  }
0x7a: {  	_ =	shalt  }
0x7b: {  	_ =	shalt  }
0x7c: {  	_ =	shalt  }
0x7d: {  	_ =	shalt  }
0x7e: {  	_ =	shalt  }
0x7f: {  	_ =	shalt  }
0x80: {  	_ =	shalt  }
0x81: {  	_ =	shalt  }
0x82: {  	_ =	shalt  }
0x83: {  	_ =	shalt  }
0x84: {  	_ =	shalt  }
0x85: {  	_ =	shalt  }
0x86: {  	_ =	shalt  }
0x87: {  	_ =	shalt  }
.Lfunc_end0:
.L_simem_size_0:
called_computation.1_lowered:
.L_overlay_start_0:
0x88: {  	s2 =	sld [smem:$0x3FD9]  }
0x89: {  	s3 =	sld [smem:$0x3FFE];
	_ =	sdelay $0x1  }
0x8a: {  	s1 =	srdreg.scid  }
0x8b: {  	s0 =	sand.u32 $0x1, s1  }
0x8c: {  	s17 =	sshll.u32 s0, $0xA;
	s2 =	sadd.s32 s3, s2  }
0x8d: {  	s2 =	sadd.s32 s2, s17  }
0x8e: {  	[smem:$0x3FC2] =	sst s2  }
0x8f: {  	_ = 	snop  }
0x90: {  	s2 =	sld [smem:$0x3FD0];
	(tm) =	ssettm $0x1  }
0x91: {  	s18 =	sld [smem:$0x3FFB];
	_ =	sdelay $0x3  }
0x92: {  	_ =	strace s18  }
0x93: {  	s3 =	sld [smem:$0x3FFC];
	_ =	sdelay $0x3  }
0x94: {  	_ =	strace s3  }
0x95: {  	s3 =	sld [smem:$0x3FFD];
	_ =	sdelay $0x3  }
0x96: {  	_ =	strace s3  }
0x97: {  	_ =	strace $0x8FFFFFFF  }
0x98: {  	s19 =	sld [smem:$0x3FDB];
	_ =	sdelay $0x1  }
0x99: {  	s4 =	simm.s32 $_scs_section_size  }
0x9a: {  	s5 =	simm.s32 $_size__tile_overlayer_lowered;
	s6 =	simm.s32 $_tile_overlayer_lowered  }
0x9b: {  	s22 =	simm.s32 $0x1BFF;
	s21 =	sshll.u32 s6, $0x1;
	s3 =	sadd.s32 s4, s19  }
0x9c: {  	s7 =	simm.s32 $0x0;
	s20 =	sshll.u32 s5, $0x1;
	s5 =	sadd.s32 s21, s3  }
0x9d: {  	[timem:s7], [sflag:s22] =	dma.local [hbm:s5], s20  }
0x9e: {  	_ =	swait.ge [sflag:s22], s20  }
0x9f: {  	s4 =	ssub.s32 $0x0, s20;
	[sflag:s22] =	ssyncset.done $0x0  }
0xa0: {  	[sflag:s22] =	ssyncadd.s32 s4;
	_ =	sdelay $0x1  }
0xa1: {  	s23 =	simm.s32 $0x1B8B  }
0xa2: {  	_ =	swait.ge [sflag:s23], $0x1  }
0xa3: {  	[sflag:s23] =	ssyncset.done $0x0  }
0xa4: {  	s25 =	simm.s32 $0x1B8E;
	s24 =	sld [smem:$0x3FFE];
	[sflag:s23] =	ssyncadd.s32 $0xFFFFFFFF  }
0xa5: {  	s26 =	simm.s32 $execute0_lowered;
	[smem:$0x3FD2] =	sst s25  }
0xa6: {  	s5 =	sshll.u32 s26, $0x1;
	_ =	strace $0x80000049;
	[dreg:$0x1] =	wrdreg $0xFFFFFFFF  }
0xa7: {  	s28 =	simm.s32 $_size_execute0_lowered;
	s3 =	sadd.s32 s3, s5;
	[dreg:$0x0] =	wrdreg $0x0  }
0xa8: {  	s5 =	sshll.u32 s28, $0x1;
	[dreg:$0x2] =	wrdreg s3  }
0xa9: {  	[dreg:$0x3] =	wrdreg s5  }
0xaa: {  	[dreg:$0x4] =	wrdreg $0xC0  }
0xab: {  	_ =	task [dreg:s7], $0x5FFFF  }
0xac: {  	[dreg:$0x1] =	wrdreg $0xFFFFFFFF  }
0xad: {  	[dreg:$0x0] =	wrdreg $0x60  }
0xae: {  	[dreg:$0x2] =	wrdreg s24  }
0xaf: {  	[dreg:$0x3] =	wrdreg s2  }
0xb0: {  	[dreg:$0x4] =	wrdreg $0xA8000  }
0xb1: {  	[dreg:$0x5] =	wrdreg $0x9  }
0xb2: {  	_ =	task.clear_ibuf [dreg:s7], $0x6FFFF;
	_ =	strace $0x90000049  }
0xb3: {  	s29 =	simm.s32 $0x9;
	_ =	strace $0x8000004B  }
0xb4: {  	_ =	swait.ge [sflag:s29], $0x1  }
0xb5: {  	[sflag:s29] =	ssyncadd.s32 $0xFFFFFFFF  }
0xb6: {  	_ =	strace $0x9000004B  }
0xb7: {  	_ =	sfence  }
0xb8: {  	s30 =	sld [smem:$0x0];
	_ =	sdelay $0x2  }
0xb9: {  	s31 =	sshll.u32 s1, $0xD;
	s1 =	sshrl.u32 s1, $0x2  }
0xba: {  	s3 =	sand.u32 $0x4000, s31;
	s1 =	sadd.s32 s1, s30  }
0xbb: {  	s0 =	sor.u32 s3, s0;
	s1 =	sshll.u32 s1, $0x11  }
0xbc: {  	s0 =	sor.u32 s1, s0  }
0xbd: {  	s0 =	sadd.s32 $0x8F2B, s0  }
0xbe: {  	[sflag:s0] =	ssyncadd.remote.s32 $0x1  }
0xbf: {  	_ =	sfence.sel $0xFFFF  }
0xc0: {  	[dreg:$0x0] =	wrdreg $0xFFFFFFFF;
	(pc) =	sbr.abs _section_cstart, $3  }
0xc1: {  	[dreg:$0x1] =	wrdreg $0xFFFFFFFF  }
0xc2: {  	_ =	task.clear_ibuf [dreg:s7], $0x2FFFF;
	_ =	strace $0x9FFFFFFF  }
0xc3: {  	(tm) =	ssettm $0x7FFFFFFF  }
tec
execute0_lowered:
.L_overlay_start_1:
0x0: {  	(tag) =	ssettag $0x1  }
0x1: {  	s6 =	rddreg [dreg:$0x0]  }
0x2: {  	s0 =	srdreg.scid;
	s7 =	rddreg [dreg:$0x1]  }
0x3: {  	s2 =	rddreg [dreg:$0x2];
	s10 =	sand.u32 $0x1, s0  }
0x4: {  	s0 =	stileid.u32;
	s4 =	smul.u32 $0x34000, s10  }
0x5: {  	s1 =	rddreg [dreg:$0x3];
	s3 =	simm.s32 $0x0;
	s5 =	smul.u32 $0x3400, s0  }
0x6: {  	s15 =	simm.s32 $0x6800;
	s16 =	simm.s32 $0x1;
	s30 =	smul.u32 $0x140000, s10  }
0x7: {  	s17 =	simm.s32 $0x0;
	[smem:$0x7FF] =	sst s3;
	s9 =	smul.u32 $0x14000, s0  }
0x8: {  	_ =	strace $0x8000004A;
	s12 =	ssub.s32 $0x2, s10;
	s13 =	smul.u32 $0x50000, s0  }
0x9: {  	p0 =	sne.s32 s10, $0x0;
	s10 =	simm.s32 $0x2;
	s31 =	sshll.u32 s0, $0x6  }
0xa: {  	s14 =	sshrl.u32 s12, $0x1;
	s4 =	sadd.s32 s5, s4;
	s9 =	sadd.s32 s9, s30  }
0xb: {  	s5 =	sadd.s32 $0x1800, s6;
	s12 =	ssub.s32 s12, s14;
	s13 =	sshrl.u32 s13, $0x2  }
.Ltmp0:
0xc: {  	s14 =	simm.s32 $0x80;
	s8 =	sshrl.u32 s4, $0x3;
	(pc) =	sbr.rel .LBB2_1-.Ltmp0, $4  }
0xd: {  	s4 =	sadd.s32 $0x4A000, s6;
	s9 =	sshrl.u32 s9, $0x3;
	s13 =	sadd.s32 s13, s2  }
0xe: {  	s11 =	sadd.s32 s8, s6;
	s9 =	sadd.s32 s9, s6;
	s7 =	sadd.s32 s7, s8  }
0xf: {  	s13 =	sshrl.u32 s13, $0x3;
	s6 =	sadd.s32 $0x3D000, s11;
	s8 =	sadd.s32 $0x98400, s9  }
0x10: {  	s9 =	smax.u32 s12, $0x1;
	s11 =	simm.s32 $0x3400;
	s12 =	sor.u32 $0x1C02, s31  }
.LBB2_7:
0x11: {  	s18 =	sshra.s32 s18, $0x2;
	[sflag:s10] =	ssyncadd.s32 $0xFFFFC000  }
0x12: {  	[tilespmem:s15], [sflag:$0x1] =	stream.indirect.gather [hbm4b:s4+s14], $0x80, s18, s14, $0xb8;
	[tilespmem:$0x1E800] =	vst v63  }
0x13: {  	_ =	swait.ge [sflag:s16], $0x4000  }
0x14: {  	[sflag:s16] =	ssyncset.done $0x0  }
0x15: {  	s18 =	sadd.s32 $0x3400, s18;
	[sflag:s16] =	ssyncadd.s32 $0xFFFFC000  }
0x16: {  	[spmem:s2] =	stream.indirect.scatter.add.f32 [tilespmem:s15], [sflag:$0x2], $0x80, s18, s14, $0xb8;
	[tilespmem:$0x1E800] =	vst v63  }
0x17: {  	_ =	swait.ge [sflag:s10], $0x4000  }
0x18: {  	[sflag:s10] =	ssyncset.done $0x0  }
0x19: {  	[sflag:s10] =	ssyncadd.s32 $0xFFFFC000  }
.LBB2_8:
0x1a: {  	s17 =	sadd.s32 $0x1, s17  }
0x1b: {  	p1 =	sne.s32 s17, s9  }
.Ltmp1:
0x1c: {  	[bflag:$0x0] =	sbarrier.arrive $0xFFFF;
	(pc) =	sbr.rel @!p1 .LBB2_9-.Ltmp1, $4  }
0x1d: {  	[hbm:s8], [sflag:s12] =	dma.local [spmem:s13], $0x2800  }
0x1e: {  	_ =	swait.ge [sflag:s10], $0x2800  }
0x1f: {  	[sflag:s10] =	ssyncset.done $0x0  }
0x20: {  	[sflag:s10] =	ssyncadd.s32 $0xFFFFD800  }
.LBB2_1:
0x21: {  	[tilespmem:s3], [sflag:$0x2] =	stream.linear.gather [hbm4b:s6+s3], $0x3080, $0x38;
	[tilespmem:$0x1E800] =	vst v63  }
0x22: {  	_ =	swait.ge [sflag:s10], $0x3080  }
0x23: {  	[sflag:s10] =	ssyncset.done $0x0  }
0x24: {  	[sflag:s10] =	ssyncadd.s32 $0xFFFFCF80  }
0x25: {  	[tilespmem:s11], [sflag:$0x2] =	stream.linear.gather [hbm4b:s7+s3], $0x3080, $0x38;
	[tilespmem:$0x1E800] =	vst v63  }
0x26: {  	_ =	swait.ge [sflag:s10], $0x3080  }
0x27: {  	[sflag:s10] =	ssyncset.done $0x0  }
0x28: {  	[sflag:s10] =	ssyncadd.s32 $0xFFFFCF80  }
0x29: {  	[spmem:s13], [sflag:s12] =	dma.local [hbm:s5], $0x2800  }
.Ltmp2:
0x2a: {  	_ =	swait.ge [sflag:s10], $0x2800;
	(pc) =	sbr.rel @p0 .LBB2_5-.Ltmp2, $4  }
0x2b: {  	[sflag:s10] =	ssyncset.done $0x0  }
0x2c: {  	[sflag:s10] =	ssyncadd.s32 $0xFFFFD800  }
0x2d: {  	[bflag:$0x0] =	sbarrier.arrive $0xFFFF  }
0x2e: {  	s18 =	simm.s32 $0x0  }
0x2f: {  	[tilespmem:s15], [sflag:$0x1] =	stream.indirect.gather [hbm4b:s4+s14], $0x80, s18, s14, $0xb8;
	[tilespmem:$0x1E800] =	vst v63  }
0x30: {  	_ =	swait.ge [sflag:s16], $0x4000  }
0x31: {  	[sflag:s16] =	ssyncset.done $0x0  }
0x32: {  	s31 =	simm.s32 $0x3400;
	[sflag:s16] =	ssyncadd.s32 $0xFFFFC000  }
0x33: {  	[spmem:s2] =	stream.indirect.scatter.add.f32 [tilespmem:s15], [sflag:$0x2], $0x80, s31, s14, $0xb8;
	[tilespmem:$0x1E800] =	vst v63  }
0x34: {  	_ =	swait.ge [sflag:s10], $0x4000  }
0x35: {  	s18 =	simm.s32 $0x200;
	s19 =	simm.s32 $0x400;
	[sflag:s10] =	ssyncset.done $0x0  }
.LBB2_3:
0x36: {  	s20 =	sshra.s32 s18, $0x2  }
0x37: {  	[sflag:s10] =	ssyncadd.s32 $0xFFFFC000;
	s18 =	smov.u32 s19;
	s21 =	sadd.s32 $0x200, s19  }
0x38: {  	[tilespmem:s15], [sflag:$0x1] =	stream.indirect.gather [hbm4b:s4+s14], $0x80, s20, s14, $0xb8;
	[tilespmem:$0x1E800] =	vst v63  }
0x39: {  	p1 =	seq.s32 s19, $0xC000;
	_ =	swait.ge [sflag:s16], $0x4000  }
.Ltmp3:
0x3a: {  	[sflag:s16] =	ssyncset.done $0x0;
	(pc) =	sbr.rel @!p1 .LBB2_3-.Ltmp3, $4  }
0x3b: {  	s19 =	sadd.s32 $0x3400, s20;
	[sflag:s16] =	ssyncadd.s32 $0xFFFFC000  }
0x3c: {  	[spmem:s2] =	stream.indirect.scatter.add.f32 [tilespmem:s15], [sflag:$0x2], $0x80, s19, s14, $0xb8;
	[tilespmem:$0x1E800] =	vst v63  }
0x3d: {  	_ =	swait.ge [sflag:s10], $0x4000  }
0x3e: {  	s19 =	smov.u32 s21;
	[sflag:s10] =	ssyncset.done $0x0  }
0x3f: {  	s18 =	sshra.s32 s18, $0x2;
	[sflag:s10] =	ssyncadd.s32 $0xFFFFC000  }
0x40: {  	[tilespmem:s15], [sflag:$0x1] =	stream.indirect.gather [hbm4b:s4+s14], $0x80, s18, s14, $0xb8;
	[tilespmem:$0x1E800] =	vst v63  }
0x41: {  	_ =	swait.ge [sflag:s16], $0x4000  }
0x42: {  	[sflag:s16] =	ssyncset.done $0x0  }
.Ltmp4:
0x43: {  	s18 =	sadd.s32 $0x3400, s18;
	[sflag:s16] =	ssyncadd.s32 $0xFFFFC000;
	(pc) =	sbr.rel .LBB2_8-.Ltmp4, $4  }
0x44: {  	[spmem:s2] =	stream.indirect.scatter.add.f32 [tilespmem:s15], [sflag:$0x2], $0x80, s18, s14, $0xb8;
	[tilespmem:$0x1E800] =	vst v63  }
0x45: {  	_ =	swait.ge [sflag:s10], $0x4000  }
0x46: {  	[sflag:s10] =	ssyncset.done $0x0  }
0x47: {  	[sflag:s10] =	ssyncadd.s32 $0xFFFFC000  }
.LBB2_5:
0x48: {  	[tilespmem:s15], [sflag:$0x1] =	stream.indirect.gather [hbm4b:s4+s14], $0x80, s18, s14, $0xb8;
	[tilespmem:$0x1E800] =	vst v63  }
0x49: {  	_ =	swait.ge [sflag:s16], $0x4000  }
0x4a: {  	[sflag:s16] =	ssyncset.done $0x0  }
0x4b: {  	s31 =	simm.s32 $0x3400;
	[sflag:s16] =	ssyncadd.s32 $0xFFFFC000  }
0x4c: {  	[spmem:s2] =	stream.indirect.scatter.add.f32 [tilespmem:s15], [sflag:$0x2], $0x80, s31, s14, $0xb8;
	[tilespmem:$0x1E800] =	vst v63  }
0x4d: {  	_ =	swait.ge [sflag:s10], $0x4000  }
0x4e: {  	s18 =	simm.s32 $0x200;
	s19 =	simm.s32 $0x400;
	[sflag:s10] =	ssyncset.done $0x0  }
.LBB2_6:
0x4f: {  	s20 =	sshra.s32 s18, $0x2  }
0x50: {  	[sflag:s10] =	ssyncadd.s32 $0xFFFFC000;
	s18 =	smov.u32 s19;
	s21 =	sadd.s32 $0x200, s19  }
0x51: {  	[tilespmem:s15], [sflag:$0x1] =	stream.indirect.gather [hbm4b:s4+s14], $0x80, s20, s14, $0xb8;
	[tilespmem:$0x1E800] =	vst v63  }
0x52: {  	p1 =	sne.s32 s19, $0x7600;
	_ =	swait.ge [sflag:s16], $0x4000  }
.Ltmp5:
0x53: {  	[sflag:s16] =	ssyncset.done $0x0;
	(pc) =	sbr.rel @p1 .LBB2_6-.Ltmp5, $4  }
0x54: {  	s19 =	sadd.s32 $0x3400, s20;
	[sflag:s16] =	ssyncadd.s32 $0xFFFFC000  }
0x55: {  	[spmem:s2] =	stream.indirect.scatter.add.f32 [tilespmem:s15], [sflag:$0x2], $0x80, s19, s14, $0xb8;
	[tilespmem:$0x1E800] =	vst v63  }
0x56: {  	_ =	swait.ge [sflag:s10], $0x4000  }
0x57: {  	s19 =	smov.u32 s21;
	[sflag:s10] =	ssyncset.done $0x0  }
.Ltmp6:
0x58: {  	_ = 	snop;
	(pc) =	sbr.rel .LBB2_7-.Ltmp6, $1  }
0x59: {  	_ =	sdelay $0x3  }
.LBB2_9:
0x5a: {  	_ =	sfence.sel $0x180000  }
0x5b: {  	[bflag:$0x0] =	sbarrier.arrive $0xFFFF  }
0x5c: {  	p0 =	sne.s32 s0, $0x0;
	_ =	strace $0x9000004A  }
0x5d: {  	s0 =	sadd.s32 @!p0 $0x100000, s1;
	[bflag:$0x2] =	sbarrier.arrive $0xFFFF  }
0x5e: {  	[sflag:s0] =	ssyncadd.tile.s32 @!p0 $0x1;
	_ =	shalt  }
.Lfunc_end2:
_tile_overlayer_lowered:
.L_overlay_start_2:
0x5f: {  	(tag) =	ssettag $0x2  }
0x60: {  	s0 =	rddreg [dreg:$0x0];
	s2 =	stileid.u32  }
0x61: {  	s1 =	rddreg [dreg:$0x1];
	p0 =	sne.s32 s2, $0x0  }
0x62: {  	s3 =	rddreg [dreg:$0x2];
	[bflag:$0x3] =	sbarrier.arrive $0xFFFF;
	s2 =	simm.s32 @!p0 $0x1C02  }
0x63: {  	[timem:s3], [sflag:s2] =	dma.local @!p0 [hbm:s0], s1  }
0x64: {  	s0 =	simm.s32 @!p0 $0x2  }
0x65: {  	_ =	swait.ge @!p0 [sflag:s0], s1  }
0x66: {  	s1 =	ssub.s32 @!p0 $0x0, s1;
	[sflag:s0] =	ssyncset.done @!p0 $0x0  }
0x67: {  	[sflag:s0] =	ssyncadd.s32 @!p0 s1  }
0x68: {  	[bflag:$0x3] =	sbarrier.arrive $0xFFFF  }
0x69: {  	_ =	shalt  }

// kernel: kernel.15.cloned.1.call-start
scs
__scs_entry_jumppad:
0x0: {  	(pc) =	sbr.rel $0x88, $3  }
0x1: {  	(tag) =	ssettag $0x0;
	lr =	simm.s32 $0x1  }
0x2: {  	[smem:$0x3F9B] =	sst lr;
	_ =	strace $0xD0000000  }
0x3: {  	_ = 	snop  }
0x4: {  	_ = 	snop  }
0x5: {  	_ = 	snop  }
0x6: {  	_ = 	snop  }
0x7: {  	_ = 	snop  }
__scs_overlays_trampoline_lowered:
0x8: {  	[smem:$0x3FAA] =	sst s0  }
0x9: {  	[smem:$0x3FAB] =	sst s1  }
0xa: {  	[smem:$0x3FAC] =	sst s2  }
0xb: {  	[smem:$0x3FAD] =	sst s3  }
0xc: {  	[smem:$0x3FAE] =	sst s4  }
0xd: {  	[smem:$0x3FAF] =	sst s5  }
0xe: {  	[smem:$0x3FB0] =	sst s6  }
0xf: {  	[smem:$0x3FB1] =	sst s7  }
0x10: {  	[smem:$0x3FB2] =	sst s8  }
0x11: {  	[smem:$0x3FB3] =	sst s9;
	s0 =	simm.s32 @!p0 $0x0  }
0x12: {  	s1 =	sld [smem:$0x3F99];
	s0 =	simm.s32 @p0 $0x1  }
0x13: {  	[smem:$0x3FB4] =	sst s0;
	s0 =	simm.s32 @!p1 $0x0  }
0x14: {  	s2 =	sld [smem:$0x3F98];
	s0 =	simm.s32 @p1 $0x1  }
0x15: {  	[smem:$0x3FB5] =	sst s0;
	s0 =	simm.s32 @!p2 $0x0  }
0x16: {  	s3 =	sld [smem:$0x3FDB];
	s0 =	simm.s32 @p2 $0x1  }
0x17: {  	s4 =	simm.s32 $0x1BF5;
	[smem:$0x3FB7] =	sst s0  }
0x18: {  	s0 =	sld [smem:$0x3F9A];
	_ =	swait.ge [sflag:s4], $0x0  }
0x19: {  	s7 =	sld [smem:$0x3F9B]  }
0x1a: {  	s8 =	sadd.s32 $0xFFFFE003, lr  }
0x1b: {  	s9 =	sadd.s32 $0xFFFFFEF7, lr;
	s5 =	simm.s32 $0xFFFFFFFF;
	p2 =	slt.u32 s8, $0xFFFFF086  }
0x1c: {  	p1 =	slt.u32 s9, $0xF7A;
	s5 =	simm.s32 @!p2 $0x0  }
0x1d: {  	s5 =	simm.s32 @p1 $0x1;
	p0 =	seq.s32 s7, s2  }
0x1e: {  	s7 =	smul.u32 @!p0 $0xF7A, s2;
	p2 =	seq.s32 @!p0 s5, $0x0  }
0x1f: {  	s9 =	smul.u32 $0xF7A, s1;
	s8 =	simm.s32 @!p0 $0x1BF5;
	p2 =	por !p2, p0  }
0x20: {  	[sflag:s8] =	ssyncset.s32 @!p0 $0xFFFFF086;
	s6 =	sadd.s32 @!p0 s3, s7;
	s7 =	simm.s32 @!p0 $0x108  }
0x21: {  	s3 =	sadd.s32 s3, s9;
	s6 =	sadd.s32 @!p0 $0x88, s6;
	s7 =	simm.s32 @p2 $0x1082  }
0x22: {  	[simem:s7], [sflag:s8] =	dma.local @!p0 [hbm:s6], $0xF7A  }
0x23: {  	s9 =	sor.u32 $0xD0000000, s2;
	s6 =	simm.s32 $0x108;
	_ =	swait.ge @!p0 [sflag:s8], $0x0  }
0x24: {  	s3 =	sadd.s32 $0x88, s3;
	s6 =	simm.s32 @!p1 $0x1082;
	[sflag:s4] =	ssyncset.s32 $0xFFFFF086  }
0x25: {  	[simem:s6], [sflag:s4] =	dma.local [hbm:s3], $0xF7A  }
0x26: {  	[smem:$0x3F9B] =	sst s1;
	(tag) =	ssettag s2;
	_ =	strace s9  }
0x27: {  	s1 =	sld [smem:$0x3FAB]  }
0x28: {  	s2 =	sld [smem:$0x3FAC]  }
0x29: {  	s4 =	sld [smem:$0x3FAE]  }
0x2a: {  	p0 =	seq.s32 s5, $0x0;
	s5 =	sld [smem:$0x3FAF]  }
0x2b: {  	s6 =	sld [smem:$0x3FB0]  }
0x2c: {  	s7 =	sld [smem:$0x3FB1]  }
0x2d: {  	s3 =	simm.s32 $0x108;
	s8 =	sld [smem:$0x3FB2]  }
0x2e: {  	s3 =	simm.s32 @!p0 $0x1082;
	s9 =	sld [smem:$0x3FB3]  }
0x2f: {  	lr =	sadd.s32 s0, s3;
	s0 =	sld [smem:$0x3FAA]  }
0x30: {  	s3 =	sld [smem:$0x3FAD]  }
0x31: {  	[smem:$0x3FB6] =	sst s10  }
0x32: {  	s10 =	sld [smem:$0x3FB4];
	_ =	sdelay $0x3  }
0x33: {  	p0 =	seq.s32 s10, $0x1;
	s10 =	sld [smem:$0x3FB6];
	_ =	sdelay $0x3  }
0x34: {  	[smem:$0x3FB6] =	sst s10  }
0x35: {  	s10 =	sld [smem:$0x3FB5];
	_ =	sdelay $0x3  }
0x36: {  	p1 =	seq.s32 s10, $0x1;
	s10 =	sld [smem:$0x3FB6];
	_ =	sdelay $0x3  }
0x37: {  	[smem:$0x3FB6] =	sst s10  }
0x38: {  	s10 =	sld [smem:$0x3FB7]  }
0x39: {  	_ = 	snop;
	(pc) =	sbr.ind lr, $3  }
0x3a: {  	_ = 	snop  }
0x3b: {  	_ = 	snop  }
0x3c: {  	p2 =	seq.s32 s10, $0x1;
	s10 =	sld [smem:$0x3FB6]  }
0x3d: {  	_ =	shalt  }
0x3e: {  	_ =	shalt  }
0x3f: {  	_ =	shalt  }
0x40: {  	_ =	shalt  }
0x41: {  	_ =	shalt  }
0x42: {  	_ =	shalt  }
0x43: {  	_ =	shalt  }
0x44: {  	_ =	shalt  }
0x45: {  	_ =	shalt  }
0x46: {  	_ =	shalt  }
0x47: {  	_ =	shalt  }
0x48: {  	_ =	shalt  }
0x49: {  	_ =	shalt  }
0x4a: {  	_ =	shalt  }
0x4b: {  	_ =	shalt  }
0x4c: {  	_ =	shalt  }
0x4d: {  	_ =	shalt  }
0x4e: {  	_ =	shalt  }
0x4f: {  	_ =	shalt  }
0x50: {  	_ =	shalt  }
0x51: {  	_ =	shalt  }
0x52: {  	_ =	shalt  }
0x53: {  	_ =	shalt  }
0x54: {  	_ =	shalt  }
0x55: {  	_ =	shalt  }
0x56: {  	_ =	shalt  }
0x57: {  	_ =	shalt  }
0x58: {  	_ =	shalt  }
0x59: {  	_ =	shalt  }
0x5a: {  	_ =	shalt  }
0x5b: {  	_ =	shalt  }
0x5c: {  	_ =	shalt  }
0x5d: {  	_ =	shalt  }
0x5e: {  	_ =	shalt  }
0x5f: {  	_ =	shalt  }
0x60: {  	_ =	shalt  }
0x61: {  	_ =	shalt  }
0x62: {  	_ =	shalt  }
0x63: {  	_ =	shalt  }
0x64: {  	_ =	shalt  }
0x65: {  	_ =	shalt  }
0x66: {  	_ =	shalt  }
0x67: {  	_ =	shalt  }
0x68: {  	_ =	shalt  }
0x69: {  	_ =	shalt  }
0x6a: {  	_ =	shalt  }
0x6b: {  	_ =	shalt  }
0x6c: {  	_ =	shalt  }
0x6d: {  	_ =	shalt  }
0x6e: {  	_ =	shalt  }
0x6f: {  	_ =	shalt  }
0x70: {  	_ =	shalt  }
0x71: {  	_ =	shalt  }
0x72: {  	_ =	shalt  }
0x73: {  	_ =	shalt  }
0x74: {  	_ =	shalt  }
0x75: {  	_ =	shalt  }
0x76: {  	_ =	shalt  }
0x77: {  	_ =	shalt  }
0x78: {  	_ =	shalt  }
0x79: {  	_ =	shalt  }
0x7a: {  	_ =	shalt  }
0x7b: {  	_ =	shalt  }
0x7c: {  	_ =	shalt  }
0x7d: {  	_ =	shalt  }
0x7e: {  	_ =	shalt  }
0x7f: {  	_ =	shalt  }
0x80: {  	_ =	shalt  }
0x81: {  	_ =	shalt  }
0x82: {  	_ =	shalt  }
0x83: {  	_ =	shalt  }
0x84: {  	_ =	shalt  }
0x85: {  	_ =	shalt  }
0x86: {  	_ =	shalt  }
0x87: {  	_ =	shalt  }
.Lfunc_end0:
.L_simem_size_0:
called_computation.2_lowered:
.L_overlay_start_0:
0x88: {  	s2 =	sld [smem:$0x3FD9]  }
0x89: {  	s3 =	sld [smem:$0x3FFE];
	_ =	sdelay $0x1  }
0x8a: {  	s1 =	srdreg.scid  }
0x8b: {  	s0 =	sand.u32 $0x1, s1  }
0x8c: {  	s17 =	sshll.u32 s0, $0xA;
	s2 =	sadd.s32 s3, s2  }
0x8d: {  	s2 =	sadd.s32 s2, s17  }
0x8e: {  	[smem:$0x3FC2] =	sst s2  }
0x8f: {  	_ = 	snop  }
0x90: {  	s2 =	sld [smem:$0x3FD0];
	(tm) =	ssettm $0x1  }
0x91: {  	s18 =	sld [smem:$0x3FFB];
	_ =	sdelay $0x3  }
0x92: {  	_ =	strace s18  }
0x93: {  	s3 =	sld [smem:$0x3FFC];
	_ =	sdelay $0x3  }
0x94: {  	_ =	strace s3  }
0x95: {  	s3 =	sld [smem:$0x3FFD];
	_ =	sdelay $0x3  }
0x96: {  	_ =	strace s3  }
0x97: {  	_ =	strace $0x8FFFFFFF  }
0x98: {  	s19 =	sld [smem:$0x3FDB];
	_ =	sdelay $0x1  }
0x99: {  	s4 =	simm.s32 $_scs_section_size  }
0x9a: {  	s5 =	simm.s32 $_size__tile_overlayer_lowered;
	s6 =	simm.s32 $_tile_overlayer_lowered  }
0x9b: {  	s22 =	simm.s32 $0x1BFF;
	s21 =	sshll.u32 s6, $0x1;
	s3 =	sadd.s32 s4, s19  }
0x9c: {  	s7 =	simm.s32 $0x0;
	s20 =	sshll.u32 s5, $0x1;
	s5 =	sadd.s32 s21, s3  }
0x9d: {  	[timem:s7], [sflag:s22] =	dma.local [hbm:s5], s20  }
0x9e: {  	_ =	swait.ge [sflag:s22], s20  }
0x9f: {  	s4 =	ssub.s32 $0x0, s20;
	[sflag:s22] =	ssyncset.done $0x0  }
0xa0: {  	[sflag:s22] =	ssyncadd.s32 s4;
	_ =	sdelay $0x1  }
0xa1: {  	s23 =	simm.s32 $0x1B8B  }
0xa2: {  	_ =	swait.ge [sflag:s23], $0x1  }
0xa3: {  	[sflag:s23] =	ssyncset.done $0x0  }
0xa4: {  	s25 =	simm.s32 $0x1B8E;
	s24 =	sld [smem:$0x3FFE];
	[sflag:s23] =	ssyncadd.s32 $0xFFFFFFFF  }
0xa5: {  	s26 =	simm.s32 $execute0_lowered;
	[smem:$0x3FD2] =	sst s25  }
0xa6: {  	s5 =	sshll.u32 s26, $0x1;
	_ =	strace $0x8000004C;
	[dreg:$0x1] =	wrdreg $0xFFFFFFFF  }
0xa7: {  	s28 =	simm.s32 $_size_execute0_lowered;
	s3 =	sadd.s32 s3, s5;
	[dreg:$0x0] =	wrdreg $0x0  }
0xa8: {  	s5 =	sshll.u32 s28, $0x1;
	[dreg:$0x2] =	wrdreg s3  }
0xa9: {  	[dreg:$0x3] =	wrdreg s5  }
0xaa: {  	[dreg:$0x4] =	wrdreg $0xC0  }
0xab: {  	_ =	task [dreg:s7], $0x5FFFF  }
0xac: {  	[dreg:$0x1] =	wrdreg $0xFFFFFFFF  }
0xad: {  	[dreg:$0x0] =	wrdreg $0x60  }
0xae: {  	[dreg:$0x2] =	wrdreg s24  }
0xaf: {  	[dreg:$0x3] =	wrdreg s2  }
0xb0: {  	[dreg:$0x4] =	wrdreg $0xA8000  }
0xb1: {  	[dreg:$0x5] =	wrdreg $0x9  }
0xb2: {  	_ =	task.clear_ibuf [dreg:s7], $0x6FFFF;
	_ =	strace $0x9000004C  }
0xb3: {  	s29 =	simm.s32 $0x9;
	_ =	strace $0x8000004E  }
0xb4: {  	_ =	swait.ge [sflag:s29], $0x1  }
0xb5: {  	[sflag:s29] =	ssyncadd.s32 $0xFFFFFFFF  }
0xb6: {  	_ =	strace $0x9000004E  }
0xb7: {  	_ =	sfence  }
0xb8: {  	s30 =	sld [smem:$0x0];
	_ =	sdelay $0x2  }
0xb9: {  	s31 =	sshll.u32 s1, $0xD;
	s1 =	sshrl.u32 s1, $0x2  }
0xba: {  	s3 =	sand.u32 $0x4000, s31;
	s1 =	sadd.s32 s1, s30  }
0xbb: {  	s0 =	sor.u32 s3, s0;
	s1 =	sshll.u32 s1, $0x11  }
0xbc: {  	s0 =	sor.u32 s1, s0  }
0xbd: {  	s0 =	sadd.s32 $0x8F2B, s0  }
0xbe: {  	[sflag:s0] =	ssyncadd.remote.s32 $0x1  }
0xbf: {  	_ =	sfence.sel $0xFFFF  }
0xc0: {  	[dreg:$0x0] =	wrdreg $0xFFFFFFFF;
	(pc) =	sbr.abs _section_cstart, $3  }
0xc1: {  	[dreg:$0x1] =	wrdreg $0xFFFFFFFF  }
0xc2: {  	_ =	task.clear_ibuf [dreg:s7], $0x2FFFF;
	_ =	strace $0x9FFFFFFF  }
0xc3: {  	(tm) =	ssettm $0x7FFFFFFF  }
tec
execute0_lowered:
.L_overlay_start_1:
0x0: {  	(tag) =	ssettag $0x1  }
0x1: {  	s6 =	rddreg [dreg:$0x0]  }
0x2: {  	s0 =	srdreg.scid;
	s7 =	rddreg [dreg:$0x1]  }
0x3: {  	s2 =	rddreg [dreg:$0x2];
	s10 =	sand.u32 $0x1, s0  }
0x4: {  	s0 =	stileid.u32;
	s4 =	smul.u32 $0x34000, s10  }
0x5: {  	s1 =	rddreg [dreg:$0x3];
	s3 =	simm.s32 $0x0;
	s5 =	smul.u32 $0x3400, s0  }
0x6: {  	s15 =	simm.s32 $0x6800;
	s16 =	simm.s32 $0x1;
	s30 =	smul.u32 $0x140000, s10  }
0x7: {  	s17 =	simm.s32 $0x0;
	[smem:$0x7FF] =	sst s3;
	s9 =	smul.u32 $0x14000, s0  }
0x8: {  	_ =	strace $0x8000004D;
	s12 =	ssub.s32 $0x2, s10;
	s13 =	smul.u32 $0x50000, s0  }
0x9: {  	p0 =	sne.s32 s10, $0x0;
	s10 =	simm.s32 $0x2;
	s31 =	sshll.u32 s0, $0x6  }
0xa: {  	s14 =	sshrl.u32 s12, $0x1;
	s4 =	sadd.s32 s5, s4;
	s9 =	sadd.s32 s9, s30  }
0xb: {  	s5 =	sadd.s32 $0x1800, s6;
	s12 =	ssub.s32 s12, s14;
	s13 =	sshrl.u32 s13, $0x2  }
.Ltmp0:
0xc: {  	s14 =	simm.s32 $0x80;
	s8 =	sshrl.u32 s4, $0x3;
	(pc) =	sbr.rel .LBB2_1-.Ltmp0, $4  }
0xd: {  	s4 =	sadd.s32 $0x4A000, s6;
	s9 =	sshrl.u32 s9, $0x3;
	s13 =	sadd.s32 s13, s2  }
0xe: {  	s11 =	sadd.s32 s8, s6;
	s9 =	sadd.s32 s9, s6;
	s7 =	sadd.s32 s7, s8  }
0xf: {  	s13 =	sshrl.u32 s13, $0x3;
	s6 =	sadd.s32 $0x3D000, s11;
	s8 =	sadd.s32 $0x98400, s9  }
0x10: {  	s9 =	smax.u32 s12, $0x1;
	s11 =	simm.s32 $0x3400;
	s12 =	sor.u32 $0x1C02, s31  }
.LBB2_7:
0x11: {  	s18 =	sshra.s32 s18, $0x2;
	[sflag:s10] =	ssyncadd.s32 $0xFFFFC000  }
0x12: {  	[tilespmem:s15], [sflag:$0x1] =	stream.indirect.gather [hbm4b:s4+s14], $0x80, s18, s14, $0xb8;
	[tilespmem:$0x1E800] =	vst v63  }
0x13: {  	_ =	swait.ge [sflag:s16], $0x4000  }
0x14: {  	[sflag:s16] =	ssyncset.done $0x0  }
0x15: {  	s18 =	sadd.s32 $0x3400, s18;
	[sflag:s16] =	ssyncadd.s32 $0xFFFFC000  }
0x16: {  	[spmem:s2] =	stream.indirect.scatter.add.f32 [tilespmem:s15], [sflag:$0x2], $0x80, s18, s14, $0xb8;
	[tilespmem:$0x1E800] =	vst v63  }
0x17: {  	_ =	swait.ge [sflag:s10], $0x4000  }
0x18: {  	[sflag:s10] =	ssyncset.done $0x0  }
0x19: {  	[sflag:s10] =	ssyncadd.s32 $0xFFFFC000  }
.LBB2_8:
0x1a: {  	s17 =	sadd.s32 $0x1, s17  }
0x1b: {  	p1 =	sne.s32 s17, s9  }
.Ltmp1:
0x1c: {  	[bflag:$0x0] =	sbarrier.arrive $0xFFFF;
	(pc) =	sbr.rel @!p1 .LBB2_9-.Ltmp1, $4  }
0x1d: {  	[hbm:s8], [sflag:s12] =	dma.local [spmem:s13], $0x2800  }
0x1e: {  	_ =	swait.ge [sflag:s10], $0x2800  }
0x1f: {  	[sflag:s10] =	ssyncset.done $0x0  }
0x20: {  	[sflag:s10] =	ssyncadd.s32 $0xFFFFD800  }
.LBB2_1:
0x21: {  	[tilespmem:s3], [sflag:$0x2] =	stream.linear.gather [hbm4b:s6+s3], $0x3080, $0x38;
	[tilespmem:$0x1E800] =	vst v63  }
0x22: {  	_ =	swait.ge [sflag:s10], $0x3080  }
0x23: {  	[sflag:s10] =	ssyncset.done $0x0  }
0x24: {  	[sflag:s10] =	ssyncadd.s32 $0xFFFFCF80  }
0x25: {  	[tilespmem:s11], [sflag:$0x2] =	stream.linear.gather [hbm4b:s7+s3], $0x3080, $0x38;
	[tilespmem:$0x1E800] =	vst v63  }
0x26: {  	_ =	swait.ge [sflag:s10], $0x3080  }
0x27: {  	[sflag:s10] =	ssyncset.done $0x0  }
0x28: {  	[sflag:s10] =	ssyncadd.s32 $0xFFFFCF80  }
0x29: {  	[spmem:s13], [sflag:s12] =	dma.local [hbm:s5], $0x2800  }
.Ltmp2:
0x2a: {  	_ =	swait.ge [sflag:s10], $0x2800;
	(pc) =	sbr.rel @p0 .LBB2_5-.Ltmp2, $4  }
0x2b: {  	[sflag:s10] =	ssyncset.done $0x0  }
0x2c: {  	[sflag:s10] =	ssyncadd.s32 $0xFFFFD800  }
0x2d: {  	[bflag:$0x0] =	sbarrier.arrive $0xFFFF  }
0x2e: {  	s18 =	simm.s32 $0x0  }
0x2f: {  	[tilespmem:s15], [sflag:$0x1] =	stream.indirect.gather [hbm4b:s4+s14], $0x80, s18, s14, $0xb8;
	[tilespmem:$0x1E800] =	vst v63  }
0x30: {  	_ =	swait.ge [sflag:s16], $0x4000  }
0x31: {  	[sflag:s16] =	ssyncset.done $0x0  }
0x32: {  	s31 =	simm.s32 $0x3400;
	[sflag:s16] =	ssyncadd.s32 $0xFFFFC000  }
0x33: {  	[spmem:s2] =	stream.indirect.scatter.add.f32 [tilespmem:s15], [sflag:$0x2], $0x80, s31, s14, $0xb8;
	[tilespmem:$0x1E800] =	vst v63  }
0x34: {  	_ =	swait.ge [sflag:s10], $0x4000  }
0x35: {  	s18 =	simm.s32 $0x200;
	s19 =	simm.s32 $0x400;
	[sflag:s10] =	ssyncset.done $0x0  }
.LBB2_3:
0x36: {  	s20 =	sshra.s32 s18, $0x2  }
0x37: {  	[sflag:s10] =	ssyncadd.s32 $0xFFFFC000;
	s18 =	smov.u32 s19;
	s21 =	sadd.s32 $0x200, s19  }
0x38: {  	[tilespmem:s15], [sflag:$0x1] =	stream.indirect.gather [hbm4b:s4+s14], $0x80, s20, s14, $0xb8;
	[tilespmem:$0x1E800] =	vst v63  }
0x39: {  	p1 =	seq.s32 s19, $0xC000;
	_ =	swait.ge [sflag:s16], $0x4000  }
.Ltmp3:
0x3a: {  	[sflag:s16] =	ssyncset.done $0x0;
	(pc) =	sbr.rel @!p1 .LBB2_3-.Ltmp3, $4  }
0x3b: {  	s19 =	sadd.s32 $0x3400, s20;
	[sflag:s16] =	ssyncadd.s32 $0xFFFFC000  }
0x3c: {  	[spmem:s2] =	stream.indirect.scatter.add.f32 [tilespmem:s15], [sflag:$0x2], $0x80, s19, s14, $0xb8;
	[tilespmem:$0x1E800] =	vst v63  }
0x3d: {  	_ =	swait.ge [sflag:s10], $0x4000  }
0x3e: {  	s19 =	smov.u32 s21;
	[sflag:s10] =	ssyncset.done $0x0  }
0x3f: {  	s18 =	sshra.s32 s18, $0x2;
	[sflag:s10] =	ssyncadd.s32 $0xFFFFC000  }
0x40: {  	[tilespmem:s15], [sflag:$0x1] =	stream.indirect.gather [hbm4b:s4+s14], $0x80, s18, s14, $0xb8;
	[tilespmem:$0x1E800] =	vst v63  }
0x41: {  	_ =	swait.ge [sflag:s16], $0x4000  }
0x42: {  	[sflag:s16] =	ssyncset.done $0x0  }
.Ltmp4:
0x43: {  	s18 =	sadd.s32 $0x3400, s18;
	[sflag:s16] =	ssyncadd.s32 $0xFFFFC000;
	(pc) =	sbr.rel .LBB2_8-.Ltmp4, $4  }
0x44: {  	[spmem:s2] =	stream.indirect.scatter.add.f32 [tilespmem:s15], [sflag:$0x2], $0x80, s18, s14, $0xb8;
	[tilespmem:$0x1E800] =	vst v63  }
0x45: {  	_ =	swait.ge [sflag:s10], $0x4000  }
0x46: {  	[sflag:s10] =	ssyncset.done $0x0  }
0x47: {  	[sflag:s10] =	ssyncadd.s32 $0xFFFFC000  }
.LBB2_5:
0x48: {  	[tilespmem:s15], [sflag:$0x1] =	stream.indirect.gather [hbm4b:s4+s14], $0x80, s18, s14, $0xb8;
	[tilespmem:$0x1E800] =	vst v63  }
0x49: {  	_ =	swait.ge [sflag:s16], $0x4000  }
0x4a: {  	[sflag:s16] =	ssyncset.done $0x0  }
0x4b: {  	s31 =	simm.s32 $0x3400;
	[sflag:s16] =	ssyncadd.s32 $0xFFFFC000  }
0x4c: {  	[spmem:s2] =	stream.indirect.scatter.add.f32 [tilespmem:s15], [sflag:$0x2], $0x80, s31, s14, $0xb8;
	[tilespmem:$0x1E800] =	vst v63  }
0x4d: {  	_ =	swait.ge [sflag:s10], $0x4000  }
0x4e: {  	s18 =	simm.s32 $0x200;
	s19 =	simm.s32 $0x400;
	[sflag:s10] =	ssyncset.done $0x0  }
.LBB2_6:
0x4f: {  	s20 =	sshra.s32 s18, $0x2  }
0x50: {  	[sflag:s10] =	ssyncadd.s32 $0xFFFFC000;
	s18 =	smov.u32 s19;
	s21 =	sadd.s32 $0x200, s19  }
0x51: {  	[tilespmem:s15], [sflag:$0x1] =	stream.indirect.gather [hbm4b:s4+s14], $0x80, s20, s14, $0xb8;
	[tilespmem:$0x1E800] =	vst v63  }
0x52: {  	p1 =	sne.s32 s19, $0x7600;
	_ =	swait.ge [sflag:s16], $0x4000  }
.Ltmp5:
0x53: {  	[sflag:s16] =	ssyncset.done $0x0;
	(pc) =	sbr.rel @p1 .LBB2_6-.Ltmp5, $4  }
0x54: {  	s19 =	sadd.s32 $0x3400, s20;
	[sflag:s16] =	ssyncadd.s32 $0xFFFFC000  }
0x55: {  	[spmem:s2] =	stream.indirect.scatter.add.f32 [tilespmem:s15], [sflag:$0x2], $0x80, s19, s14, $0xb8;
	[tilespmem:$0x1E800] =	vst v63  }
0x56: {  	_ =	swait.ge [sflag:s10], $0x4000  }
0x57: {  	s19 =	smov.u32 s21;
	[sflag:s10] =	ssyncset.done $0x0  }
.Ltmp6:
0x58: {  	_ = 	snop;
	(pc) =	sbr.rel .LBB2_7-.Ltmp6, $1  }
0x59: {  	_ =	sdelay $0x3  }
.LBB2_9:
0x5a: {  	_ =	sfence.sel $0x180000  }
0x5b: {  	[bflag:$0x0] =	sbarrier.arrive $0xFFFF  }
0x5c: {  	p0 =	sne.s32 s0, $0x0;
	_ =	strace $0x9000004D  }
0x5d: {  	s0 =	sadd.s32 @!p0 $0x100000, s1;
	[bflag:$0x2] =	sbarrier.arrive $0xFFFF  }
0x5e: {  	[sflag:s0] =	ssyncadd.tile.s32 @!p0 $0x1;
	_ =	shalt  }
.Lfunc_end2:
_tile_overlayer_lowered:
.L_overlay_start_2:
0x5f: {  	(tag) =	ssettag $0x2  }
0x60: {  	s0 =	rddreg [dreg:$0x0];
	s2 =	stileid.u32  }
0x61: {  	s1 =	rddreg [dreg:$0x1];
	p0 =	sne.s32 s2, $0x0  }
0x62: {  	s3 =	rddreg [dreg:$0x2];
	[bflag:$0x3] =	sbarrier.arrive $0xFFFF;
	s2 =	simm.s32 @!p0 $0x1C02  }
0x63: {  	[timem:s3], [sflag:s2] =	dma.local @!p0 [hbm:s0], s1  }
0x64: {  	s0 =	simm.s32 @!p0 $0x2  }
0x65: {  	_ =	swait.ge @!p0 [sflag:s0], s1  }
0x66: {  	s1 =	ssub.s32 @!p0 $0x0, s1;
	[sflag:s0] =	ssyncset.done @!p0 $0x0  }
0x67: {  	[sflag:s0] =	ssyncadd.s32 @!p0 s1  }
0x68: {  	[bflag:$0x3] =	sbarrier.arrive $0xFFFF  }
0x69: {  	_ =	shalt  }

// kernel: kernel.9.cloned.1.call-start
scs
__scs_entry_jumppad:
0x0: {  	(pc) =	sbr.rel $0x88, $3  }
0x1: {  	(tag) =	ssettag $0x0;
	lr =	simm.s32 $0x1  }
0x2: {  	[smem:$0x3F9B] =	sst lr;
	_ =	strace $0xD0000000  }
0x3: {  	_ = 	snop  }
0x4: {  	_ = 	snop  }
0x5: {  	_ = 	snop  }
0x6: {  	_ = 	snop  }
0x7: {  	_ = 	snop  }
__scs_overlays_trampoline_lowered:
0x8: {  	[smem:$0x3FAA] =	sst s0  }
0x9: {  	[smem:$0x3FAB] =	sst s1  }
0xa: {  	[smem:$0x3FAC] =	sst s2  }
0xb: {  	[smem:$0x3FAD] =	sst s3  }
0xc: {  	[smem:$0x3FAE] =	sst s4  }
0xd: {  	[smem:$0x3FAF] =	sst s5  }
0xe: {  	[smem:$0x3FB0] =	sst s6  }
0xf: {  	[smem:$0x3FB1] =	sst s7  }
0x10: {  	[smem:$0x3FB2] =	sst s8  }
0x11: {  	[smem:$0x3FB3] =	sst s9;
	s0 =	simm.s32 @!p0 $0x0  }
0x12: {  	s1 =	sld [smem:$0x3F99];
	s0 =	simm.s32 @p0 $0x1  }
0x13: {  	[smem:$0x3FB4] =	sst s0;
	s0 =	simm.s32 @!p1 $0x0  }
0x14: {  	s2 =	sld [smem:$0x3F98];
	s0 =	simm.s32 @p1 $0x1  }
0x15: {  	[smem:$0x3FB5] =	sst s0;
	s0 =	simm.s32 @!p2 $0x0  }
0x16: {  	s3 =	sld [smem:$0x3FDB];
	s0 =	simm.s32 @p2 $0x1  }
0x17: {  	s4 =	simm.s32 $0x1BF5;
	[smem:$0x3FB7] =	sst s0  }
0x18: {  	s0 =	sld [smem:$0x3F9A];
	_ =	swait.ge [sflag:s4], $0x0  }
0x19: {  	s7 =	sld [smem:$0x3F9B]  }
0x1a: {  	s8 =	sadd.s32 $0xFFFFE003, lr  }
0x1b: {  	s9 =	sadd.s32 $0xFFFFFEF7, lr;
	s5 =	simm.s32 $0xFFFFFFFF;
	p2 =	slt.u32 s8, $0xFFFFF086  }
0x1c: {  	p1 =	slt.u32 s9, $0xF7A;
	s5 =	simm.s32 @!p2 $0x0  }
0x1d: {  	s5 =	simm.s32 @p1 $0x1;
	p0 =	seq.s32 s7, s2  }
0x1e: {  	s7 =	smul.u32 @!p0 $0xF7A, s2;
	p2 =	seq.s32 @!p0 s5, $0x0  }
0x1f: {  	s9 =	smul.u32 $0xF7A, s1;
	s8 =	simm.s32 @!p0 $0x1BF5;
	p2 =	por !p2, p0  }
0x20: {  	[sflag:s8] =	ssyncset.s32 @!p0 $0xFFFFF086;
	s6 =	sadd.s32 @!p0 s3, s7;
	s7 =	simm.s32 @!p0 $0x108  }
0x21: {  	s3 =	sadd.s32 s3, s9;
	s6 =	sadd.s32 @!p0 $0x88, s6;
	s7 =	simm.s32 @p2 $0x1082  }
0x22: {  	[simem:s7], [sflag:s8] =	dma.local @!p0 [hbm:s6], $0xF7A  }
0x23: {  	s9 =	sor.u32 $0xD0000000, s2;
	s6 =	simm.s32 $0x108;
	_ =	swait.ge @!p0 [sflag:s8], $0x0  }
0x24: {  	s3 =	sadd.s32 $0x88, s3;
	s6 =	simm.s32 @!p1 $0x1082;
	[sflag:s4] =	ssyncset.s32 $0xFFFFF086  }
0x25: {  	[simem:s6], [sflag:s4] =	dma.local [hbm:s3], $0xF7A  }
0x26: {  	[smem:$0x3F9B] =	sst s1;
	(tag) =	ssettag s2;
	_ =	strace s9  }
0x27: {  	s1 =	sld [smem:$0x3FAB]  }
0x28: {  	s2 =	sld [smem:$0x3FAC]  }
0x29: {  	s4 =	sld [smem:$0x3FAE]  }
0x2a: {  	p0 =	seq.s32 s5, $0x0;
	s5 =	sld [smem:$0x3FAF]  }
0x2b: {  	s6 =	sld [smem:$0x3FB0]  }
0x2c: {  	s7 =	sld [smem:$0x3FB1]  }
0x2d: {  	s3 =	simm.s32 $0x108;
	s8 =	sld [smem:$0x3FB2]  }
0x2e: {  	s3 =	simm.s32 @!p0 $0x1082;
	s9 =	sld [smem:$0x3FB3]  }
0x2f: {  	lr =	sadd.s32 s0, s3;
	s0 =	sld [smem:$0x3FAA]  }
0x30: {  	s3 =	sld [smem:$0x3FAD]  }
0x31: {  	[smem:$0x3FB6] =	sst s10  }
0x32: {  	s10 =	sld [smem:$0x3FB4];
	_ =	sdelay $0x3  }
0x33: {  	p0 =	seq.s32 s10, $0x1;
	s10 =	sld [smem:$0x3FB6];
	_ =	sdelay $0x3  }
0x34: {  	[smem:$0x3FB6] =	sst s10  }
0x35: {  	s10 =	sld [smem:$0x3FB5];
	_ =	sdelay $0x3  }
0x36: {  	p1 =	seq.s32 s10, $0x1;
	s10 =	sld [smem:$0x3FB6];
	_ =	sdelay $0x3  }
0x37: {  	[smem:$0x3FB6] =	sst s10  }
0x38: {  	s10 =	sld [smem:$0x3FB7]  }
0x39: {  	_ = 	snop;
	(pc) =	sbr.ind lr, $3  }
0x3a: {  	_ = 	snop  }
0x3b: {  	_ = 	snop  }
0x3c: {  	p2 =	seq.s32 s10, $0x1;
	s10 =	sld [smem:$0x3FB6]  }
0x3d: {  	_ =	shalt  }
0x3e: {  	_ =	shalt  }
0x3f: {  	_ =	shalt  }
0x40: {  	_ =	shalt  }
0x41: {  	_ =	shalt  }
0x42: {  	_ =	shalt  }
0x43: {  	_ =	shalt  }
0x44: {  	_ =	shalt  }
0x45: {  	_ =	shalt  }
0x46: {  	_ =	shalt  }
0x47: {  	_ =	shalt  }
0x48: {  	_ =	shalt  }
0x49: {  	_ =	shalt  }
0x4a: {  	_ =	shalt  }
0x4b: {  	_ =	shalt  }
0x4c: {  	_ =	shalt  }
0x4d: {  	_ =	shalt  }
0x4e: {  	_ =	shalt  }
0x4f: {  	_ =	shalt  }
0x50: {  	_ =	shalt  }
0x51: {  	_ =	shalt  }
0x52: {  	_ =	shalt  }
0x53: {  	_ =	shalt  }
0x54: {  	_ =	shalt  }
0x55: {  	_ =	shalt  }
0x56: {  	_ =	shalt  }
0x57: {  	_ =	shalt  }
0x58: {  	_ =	shalt  }
0x59: {  	_ =	shalt  }
0x5a: {  	_ =	shalt  }
0x5b: {  	_ =	shalt  }
0x5c: {  	_ =	shalt  }
0x5d: {  	_ =	shalt  }
0x5e: {  	_ =	shalt  }
0x5f: {  	_ =	shalt  }
0x60: {  	_ =	shalt  }
0x61: {  	_ =	shalt  }
0x62: {  	_ =	shalt  }
0x63: {  	_ =	shalt  }
0x64: {  	_ =	shalt  }
0x65: {  	_ =	shalt  }
0x66: {  	_ =	shalt  }
0x67: {  	_ =	shalt  }
0x68: {  	_ =	shalt  }
0x69: {  	_ =	shalt  }
0x6a: {  	_ =	shalt  }
0x6b: {  	_ =	shalt  }
0x6c: {  	_ =	shalt  }
0x6d: {  	_ =	shalt  }
0x6e: {  	_ =	shalt  }
0x6f: {  	_ =	shalt  }
0x70: {  	_ =	shalt  }
0x71: {  	_ =	shalt  }
0x72: {  	_ =	shalt  }
0x73: {  	_ =	shalt  }
0x74: {  	_ =	shalt  }
0x75: {  	_ =	shalt  }
0x76: {  	_ =	shalt  }
0x77: {  	_ =	shalt  }
0x78: {  	_ =	shalt  }
0x79: {  	_ =	shalt  }
0x7a: {  	_ =	shalt  }
0x7b: {  	_ =	shalt  }
0x7c: {  	_ =	shalt  }
0x7d: {  	_ =	shalt  }
0x7e: {  	_ =	shalt  }
0x7f: {  	_ =	shalt  }
0x80: {  	_ =	shalt  }
0x81: {  	_ =	shalt  }
0x82: {  	_ =	shalt  }
0x83: {  	_ =	shalt  }
0x84: {  	_ =	shalt  }
0x85: {  	_ =	shalt  }
0x86: {  	_ =	shalt  }
0x87: {  	_ =	shalt  }
.Lfunc_end0:
.L_simem_size_0:
called_computation_lowered:
.L_overlay_start_0:
0x88: {  	s2 =	sld [smem:$0x3FD9]  }
0x89: {  	s3 =	sld [smem:$0x3FFE];
	_ =	sdelay $0x1  }
0x8a: {  	s1 =	srdreg.scid  }
0x8b: {  	s0 =	sand.u32 $0x1, s1  }
0x8c: {  	s16 =	sshll.u32 s0, $0xA;
	s2 =	sadd.s32 s3, s2  }
0x8d: {  	s2 =	sadd.s32 s2, s16  }
0x8e: {  	[smem:$0x3FC2] =	sst s2  }
0x8f: {  	_ = 	snop  }
0x90: {  	(tm) =	ssettm $0x1  }
0x91: {  	s17 =	sld [smem:$0x3FFB];
	_ =	sdelay $0x3  }
0x92: {  	_ =	strace s17  }
0x93: {  	s2 =	sld [smem:$0x3FFC];
	_ =	sdelay $0x3  }
0x94: {  	_ =	strace s2  }
0x95: {  	s2 =	sld [smem:$0x3FFD];
	_ =	sdelay $0x3  }
0x96: {  	_ =	strace s2  }
0x97: {  	_ =	strace $0x8FFFFFFF  }
0x98: {  	s18 =	sld [smem:$0x3FDB];
	_ =	sdelay $0x1  }
0x99: {  	s19 =	simm.s32 $_scs_section_size  }
0x9a: {  	s4 =	simm.s32 $_size__tile_overlayer_lowered;
	s5 =	simm.s32 $_tile_overlayer_lowered  }
0x9b: {  	s22 =	simm.s32 $0x1BFF;
	s21 =	sshll.u32 s5, $0x1;
	s2 =	sadd.s32 s19, s18  }
0x9c: {  	s6 =	simm.s32 $0x0;
	s20 =	sshll.u32 s4, $0x1;
	s4 =	sadd.s32 s21, s2  }
0x9d: {  	[timem:s6], [sflag:s22] =	dma.local [hbm:s4], s20  }
0x9e: {  	_ =	swait.ge [sflag:s22], s20  }
0x9f: {  	s3 =	ssub.s32 $0x0, s20;
	[sflag:s22] =	ssyncset.done $0x0  }
0xa0: {  	[sflag:s22] =	ssyncadd.s32 s3;
	_ =	sdelay $0x1  }
0xa1: {  	s23 =	simm.s32 $0x1B8B  }
0xa2: {  	_ =	swait.ge [sflag:s23], $0x1  }
0xa3: {  	[sflag:s23] =	ssyncset.done $0x0  }
0xa4: {  	s25 =	simm.s32 $0x1B8E;
	s24 =	sld [smem:$0x3FFE];
	[sflag:s23] =	ssyncadd.s32 $0xFFFFFFFF  }
0xa5: {  	s26 =	simm.s32 $execute0_lowered;
	[smem:$0x3FD2] =	sst s25  }
0xa6: {  	s4 =	sshll.u32 s26, $0x1;
	_ =	strace $0x80000046;
	[dreg:$0x1] =	wrdreg $0xFFFFFFFF  }
0xa7: {  	s28 =	simm.s32 $_size_execute0_lowered;
	s2 =	sadd.s32 s2, s4;
	[dreg:$0x0] =	wrdreg $0x0  }
0xa8: {  	s4 =	sshll.u32 s28, $0x1;
	[dreg:$0x2] =	wrdreg s2  }
0xa9: {  	[dreg:$0x3] =	wrdreg s4  }
0xaa: {  	[dreg:$0x4] =	wrdreg $0xC0  }
0xab: {  	_ =	task [dreg:s6], $0x5FFFF  }
0xac: {  	[dreg:$0x1] =	wrdreg $0xFFFFFFFF  }
0xad: {  	[dreg:$0x0] =	wrdreg $0x60  }
0xae: {  	[dreg:$0x2] =	wrdreg s24  }
0xaf: {  	[dreg:$0x3] =	wrdreg $0x9  }
0xb0: {  	_ =	task.clear_ibuf [dreg:s6], $0x4FFFF;
	_ =	strace $0x90000046  }
0xb1: {  	s29 =	simm.s32 $0x9;
	_ =	strace $0x80000048  }
0xb2: {  	_ =	swait.ge [sflag:s29], $0x1  }
0xb3: {  	[sflag:s29] =	ssyncadd.s32 $0xFFFFFFFF  }
0xb4: {  	_ =	strace $0x90000048  }
0xb5: {  	_ =	sfence  }
0xb6: {  	s30 =	sld [smem:$0x0];
	_ =	sdelay $0x2  }
0xb7: {  	s31 =	sshll.u32 s1, $0xD;
	s1 =	sshrl.u32 s1, $0x2  }
0xb8: {  	s3 =	sand.u32 $0x4000, s31;
	s1 =	sadd.s32 s1, s30  }
0xb9: {  	s0 =	sor.u32 s3, s0;
	s1 =	sshll.u32 s1, $0x11  }
0xba: {  	s0 =	sor.u32 s1, s0  }
0xbb: {  	s0 =	sadd.s32 $0x8F2B, s0  }
0xbc: {  	[sflag:s0] =	ssyncadd.remote.s32 $0x1  }
0xbd: {  	_ =	sfence.sel $0xFFFF  }
0xbe: {  	[dreg:$0x0] =	wrdreg $0xFFFFFFFF;
	(pc) =	sbr.abs _section_cstart, $3  }
0xbf: {  	[dreg:$0x1] =	wrdreg $0xFFFFFFFF  }
0xc0: {  	_ =	task.clear_ibuf [dreg:s6], $0x2FFFF;
	_ =	strace $0x9FFFFFFF  }
0xc1: {  	(tm) =	ssettm $0x7FFFFFFF  }
tec
execute0_lowered:
.L_overlay_start_1:
0x0: {  	(tag) =	ssettag $0x1  }
0x1: {  	s4 =	rddreg [dreg:$0x0]  }
0x2: {  	s1 =	srdreg.scid;
	s0 =	rddreg [dreg:$0x1];
	s2 =	simm.s32 $0x0  }
0x3: {  	s10 =	simm.s32 $0x400;
	s3 =	sand.u32 $0x1, s1;
	s1 =	stileid.u32  }
0x4: {  	s11 =	simm.s32 $0x0;
	[smem:$0x7FF] =	sst s2;
	s5 =	smul.u32 $0x28000, s3  }
0x5: {  	s6 =	smul.u32 $0x2800, s1;
	s7 =	sshrl.u32 s1, $0x2;
	s8 =	sshll.u32 s1, $0x8  }
0x6: {  	s9 =	sshll.u32 s3, $0x7;
	_ =	strace $0x80000047;
	s30 =	ssub.s32 $0x2, s3  }
0x7: {  	s3 =	sadd.s32 $0xB800, s4;
	s7 =	smul.u32 $0x14000, s7;
	s8 =	sand.u32 $0x300, s8  }
0x8: {  	s31 =	sshrl.u32 s30, $0x1;
	s5 =	sadd.s32 s6, s5;
	s29 =	sor.u32 s9, s8  }
0x9: {  	s8 =	simm.s32 $0x2800;
	s5 =	sshrl.u32 s5, $0x3;
	s6 =	sor.u32 s7, s29  }
0xa: {  	s9 =	simm.s32 $0x80;
	s5 =	sadd.s32 s5, s4;
	s6 =	sshrl.u32 s6, $0x3  }
0xb: {  	s7 =	ssub.s32 s30, s31;
	s6 =	sadd.s32 s6, s4;
	s4 =	sadd.s32 $0x1800, s5  }
0xc: {  	v0 =	vimm.f32 $1.000000000e+00;
	s5 =	sadd.s32 $0xBE00, s6;
	s6 =	smax.u32 s7, $0x1;
	s7 =	simm.s32 $0x1  }
.LBB2_1:
0xd: {  	[tilespmem:s2], [sflag:$0x1] =	stream.linear.gather [hbm4b:s4+s2], $0x2800, $0x38;
	[tilespmem:$0x5000] =	vst v63  }
0xe: {  	_ =	swait.ge [sflag:s7], $0x2800  }
0xf: {  	[sflag:s7] =	ssyncset.done $0x0  }
0x10: {  	[sflag:s7] =	ssyncadd.s32 $0xFFFFD800  }
0x11: {  	[tilespmem:s8], [sflag:$0x1] =	stream.linear.gather [hbm4b:s3+s2], $0x2800, $0x38;
	[tilespmem:$0x5000] =	vst v63  }
0x12: {  	_ =	swait.ge [sflag:s7], $0x2800  }
0x13: {  	[sflag:s7] =	ssyncset.done $0x0  }
0x14: {  	s12 =	simm.s32 $0x1C0;
	[sflag:s7] =	ssyncadd.s32 $0xFFFFD800  }
.LBB2_2:
0x15: {  	s13 =	sshra.s32 s12, $0x2  }
0x16: {  	v1 =	vld [tilespmem:s13+$0xFFFFFF90];
	_ =	sdelay $0x7  }
0x17: {  	[tilespmem:v1+s8+$0x0] =	vst.idx.add.f32.msk $0xffff, v0  }
0x18: {  	v1 =	vld [tilespmem:s13+$0xFFFFFFA0];
	_ =	sdelay $0x7  }
0x19: {  	[tilespmem:v1+s8+$0x0] =	vst.idx.add.f32.msk $0xffff, v0  }
0x1a: {  	v1 =	vld [tilespmem:s13+$0xFFFFFFB0];
	_ =	sdelay $0x7  }
0x1b: {  	[tilespmem:v1+s8+$0x0] =	vst.idx.add.f32.msk $0xffff, v0  }
0x1c: {  	v1 =	vld [tilespmem:s13+$0xFFFFFFC0];
	_ =	sdelay $0x7  }
0x1d: {  	[tilespmem:v1+s8+$0x0] =	vst.idx.add.f32.msk $0xffff, v0  }
0x1e: {  	v1 =	vld [tilespmem:s13+$0xFFFFFFD0];
	_ =	sdelay $0x7  }
0x1f: {  	[tilespmem:v1+s8+$0x0] =	vst.idx.add.f32.msk $0xffff, v0  }
0x20: {  	v1 =	vld [tilespmem:s13+$0xFFFFFFE0];
	_ =	sdelay $0x7  }
0x21: {  	[tilespmem:v1+s8+$0x0] =	vst.idx.add.f32.msk $0xffff, v0  }
0x22: {  	v1 =	vld [tilespmem:s13+$0xFFFFFFF0];
	_ =	sdelay $0x7  }
0x23: {  	[tilespmem:v1+s8+$0x0] =	vst.idx.add.f32.msk $0xffff, v0  }
0x24: {  	v1 =	vld [tilespmem:s13+$0x0];
	_ =	sdelay $0x2  }
0x25: {  	p0 =	sne.s32 s12, $0x9FC0  }
.Ltmp0:
0x26: {  	_ = 	snop;
	(pc) =	sbr.rel @p0 .LBB2_2-.Ltmp0, $2  }
0x27: {  	_ =	sdelay $0x2  }
0x28: {  	s12 =	sadd.s32 $0x200, s12;
	[tilespmem:v1+s8+$0x0] =	vst.idx.add.f32.msk $0xffff, v0  }
0x29: {  	s11 =	sadd.s32 $0x1, s11  }
0x2a: {  	p0 =	sne.s32 s11, s6  }
.Ltmp1:
0x2b: {  	_ = 	snop;
	(pc) =	sbr.rel @p0 .LBB2_1-.Ltmp1, $4  }
0x2c: {  	[hbm4b:s5+s9] =	stream.strided.scatter [tilespmem:s8], [sflag:$0x1], $0x2800, s10, s9, $0x38;
	[tilespmem:$0x5000] =	vst v63  }
0x2d: {  	_ =	swait.ge [sflag:s7], $0x2800  }
0x2e: {  	[sflag:s7] =	ssyncset.done $0x0  }
0x2f: {  	[sflag:s7] =	ssyncadd.s32 $0xFFFFD800  }
0x30: {  	_ =	sfence.sel $0x180000  }
0x31: {  	[bflag:$0x0] =	sbarrier.arrive $0xFFFF  }
0x32: {  	p0 =	sne.s32 s1, $0x0;
	_ =	strace $0x90000047  }
0x33: {  	s0 =	sadd.s32 @!p0 $0x100000, s0;
	[bflag:$0x2] =	sbarrier.arrive $0xFFFF  }
0x34: {  	[sflag:s0] =	ssyncadd.tile.s32 @!p0 $0x1;
	_ =	shalt  }
.Lfunc_end2:
_tile_overlayer_lowered:
.L_overlay_start_2:
0x35: {  	(tag) =	ssettag $0x2  }
0x36: {  	s0 =	rddreg [dreg:$0x0];
	s2 =	stileid.u32  }
0x37: {  	s1 =	rddreg [dreg:$0x1];
	p0 =	sne.s32 s2, $0x0  }
0x38: {  	s3 =	rddreg [dreg:$0x2];
	[bflag:$0x3] =	sbarrier.arrive $0xFFFF;
	s2 =	simm.s32 @!p0 $0x1C01  }
0x39: {  	[timem:s3], [sflag:s2] =	dma.local @!p0 [hbm:s0], s1  }
0x3a: {  	s0 =	simm.s32 @!p0 $0x1  }
0x3b: {  	_ =	swait.ge @!p0 [sflag:s0], s1  }
0x3c: {  	s1 =	ssub.s32 @!p0 $0x0, s1;
	[sflag:s0] =	ssyncset.done @!p0 $0x0  }
0x3d: {  	[sflag:s0] =	ssyncadd.s32 @!p0 s1  }
0x3e: {  	[bflag:$0x3] =	sbarrier.arrive $0xFFFF  }
0x3f: {  	_ =	shalt  }

</sc_bundles>
